<compile_context>
chip_gen: v7x
topology: tpu7x:2x2x1
jax: 0.10.2.dev20260603
libtpu: 0.0.44.dev20260713+nightly
codegen_flags: <defaults>
</compile_context>

<pallas_src>
import functools

import jax
import jax.numpy as jnp
from jax import lax
from jax.experimental import pallas as pl
from jax.experimental.pallas import tpu as pltpu
from jax.experimental.pallas import tpu_sc as plsc

NUM_EXPERTS = 64
TOP_K = 2
HIDDEN = 2048
Z_LOSS_COEFF = 0.001
AUX_LOSS_COEFF = 0.01

BLOCK_T = 512
NSTREAM = 2
NEG_HUGE = -3.0e38


def _router_rows(logits):
    iota = jax.lax.broadcasted_iota(jnp.int32, logits.shape, 0)

    m1 = jnp.max(logits, axis=0, keepdims=True)
    idx1 = jnp.min(jnp.where(logits == m1, iota, NUM_EXPERTS),
                   axis=0, keepdims=True)
    masked = jnp.where(iota == idx1, NEG_HUGE, logits)
    m2 = jnp.max(masked, axis=0, keepdims=True)
    idx2 = jnp.min(jnp.where(masked == m2, iota, NUM_EXPERTS),
                   axis=0, keepdims=True)

    ex = jnp.exp(logits - m1)
    denom = jnp.sum(ex, axis=0, keepdims=True)
    recip = 1.0 / denom
    lse = m1 + jnp.log(denom)

    w1 = recip
    w2 = jnp.exp(m2 - m1) * recip

    wts_t = jnp.concatenate([w1, w2], axis=0)
    idx_t = jnp.concatenate([idx1, idx2], axis=0)

    agg_part = jnp.sum(ex * recip, axis=1, keepdims=True)
    z_part = jnp.sum(lse * lse, axis=1, keepdims=True)
    return wts_t, idx_t, agg_part, z_part


def _router_block(*refs, nblk, num_tokens):
    x_refs = refs[:NSTREAM]
    w_ref = refs[NSTREAM]
    wts_refs = refs[NSTREAM + 1:2 * NSTREAM + 1]
    idx_refs = refs[2 * NSTREAM + 1:3 * NSTREAM + 1]
    z_ref = refs[3 * NSTREAM + 1]
    aggout_ref = refs[3 * NSTREAM + 2]
    agg_ref, zacc_ref = refs[3 * NSTREAM + 3:]

    i = pl.program_id(0)
    w = w_ref[...]

    agg_acc = jnp.zeros((NUM_EXPERTS, 1), jnp.float32)
    z_acc = jnp.zeros((1, 1), jnp.float32)
    for x_ref, wts_ref, idx_ref in zip(x_refs, wts_refs, idx_refs):
        logits = jax.lax.dot_general(
            w, x_ref[...],
            dimension_numbers=(((1,), (1,)), ((), ())),
            preferred_element_type=jnp.float32,
        )
        wts_t, idx_t, agg_part, z_part = _router_rows(logits)
        wts_ref[...] = wts_t
        idx_ref[...] = idx_t
        agg_acc += agg_part
        z_acc += z_part

    @pl.when(i == 0)
    def _init():
        agg_ref[...] = agg_acc
        zacc_ref[...] = z_acc

    @pl.when(i > 0)
    def _accum():
        agg_ref[...] += agg_acc
        zacc_ref[...] += z_acc

    @pl.when(i == nblk - 1)
    def _finalize():
        z_ref[...] = zacc_ref[...] * (Z_LOSS_COEFF / num_tokens)
        aggout_ref[...] = agg_ref[...]


def _tc_router(xf, W):
    num_tokens = xf.shape[0]
    nblk = num_tokens // (BLOCK_T * NSTREAM)
    stream_rows = num_tokens // NSTREAM

    def x_map(s):
        return lambda i: (i + s * nblk, 0)

    in_specs = [pl.BlockSpec((BLOCK_T, HIDDEN), x_map(s))
                for s in range(NSTREAM)]
    in_specs.append(pl.BlockSpec((NUM_EXPERTS, HIDDEN), lambda i: (0, 0)))

    out_specs = (
        [pl.BlockSpec((TOP_K, BLOCK_T), lambda i: (0, i))
         for _ in range(2 * NSTREAM)]
        + [pl.BlockSpec((1, 1), lambda i: (0, 0)),
           pl.BlockSpec((NUM_EXPERTS, 1), lambda i: (0, 0))])
    out_shape = (
        [jax.ShapeDtypeStruct((TOP_K, stream_rows), jnp.float32)
         for _ in range(NSTREAM)]
        + [jax.ShapeDtypeStruct((TOP_K, stream_rows), jnp.int32)
           for _ in range(NSTREAM)]
        + [jax.ShapeDtypeStruct((1, 1), jnp.float32),
           jax.ShapeDtypeStruct((NUM_EXPERTS, 1), jnp.float32)])

    return pl.pallas_call(
        functools.partial(_router_block, nblk=nblk, num_tokens=num_tokens),
        grid=(nblk,),
        in_specs=in_specs,
        out_specs=out_specs,
        out_shape=out_shape,
        scratch_shapes=[
            pltpu.VMEM((NUM_EXPERTS, 1), jnp.float32),
            pltpu.VMEM((1, 1), jnp.float32),
        ],
    )(*([xf] * NSTREAM), W)


NSUB = 16
IDX_PER_W = 1024


def _sc_hist_body(idx0_hbm, idx1_hbm, out_hbm,
                  idx_v, ones_v, tmp_v, hist_v, bins_sh):
    wid = lax.axis_index("s")
    half = IDX_PER_W // 2
    base = wid * half

    pltpu.sync_copy(idx0_hbm.at[pl.ds(base, half)],
                    idx_v.at[pl.ds(0, half)])
    pltpu.sync_copy(idx1_hbm.at[pl.ds(base, half)],
                    idx_v.at[pl.ds(half, half)])

    for j in range(IDX_PER_W // 16):
        ones_v[pl.ds(j * 16, 16)] = jnp.full((16,), 1.0, jnp.float32)

    @pl.when(wid == 0)
    def _init_bins():
        for j in range(NUM_EXPERTS // 16):
            tmp_v[pl.ds(j * 16, 16)] = jnp.zeros((16,), jnp.float32)
        pltpu.sync_copy(tmp_v, bins_sh)

    plsc.subcore_barrier()
    pltpu.sync_copy(ones_v, bins_sh.at[idx_v], add=True)
    plsc.subcore_barrier()

    @pl.when(wid == 0)
    def _finalize():
        pltpu.sync_copy(bins_sh, hist_v)
        pltpu.sync_copy(hist_v, out_hbm)


def _sc_hist(idx0_flat, idx1_flat):
    mesh = plsc.VectorSubcoreMesh(
        core_axis_name="c", subcore_axis_name="s",
        num_cores=1, num_subcores=NSUB)
    fn = pl.kernel(
        _sc_hist_body,
        out_type=jax.ShapeDtypeStruct((NUM_EXPERTS,), jnp.float32),
        mesh=mesh,
        scratch_types=[
            pltpu.VMEM((IDX_PER_W,), jnp.int32),
            pltpu.VMEM((IDX_PER_W,), jnp.float32),
            pltpu.VMEM((NUM_EXPERTS,), jnp.float32),
            pltpu.VMEM((NUM_EXPERTS,), jnp.float32),
            pltpu.MemorySpace.VMEM_SHARED((NUM_EXPERTS,), jnp.float32),
        ],
    )
    return fn(idx0_flat, idx1_flat)


def _dot_body(h_ref, a_ref, o_ref, *, num_tokens):
    o_ref[...] = jnp.sum(h_ref[...] * a_ref[...], keepdims=True) * (
        NUM_EXPERTS * AUX_LOSS_COEFF / (num_tokens * num_tokens * TOP_K))


def _tc_lbl(hist, agg, num_tokens):
    return pl.pallas_call(
        functools.partial(_dot_body, num_tokens=num_tokens),
        out_shape=jax.ShapeDtypeStruct((1, 1), jnp.float32),
    )(hist.reshape(1, NUM_EXPERTS), agg.reshape(1, NUM_EXPERTS))


def kernel(x, W):
    xf = x.reshape(-1, x.shape[-1])
    num_tokens = xf.shape[0]

    outs = _tc_router(xf, W)
    wts = jnp.concatenate(outs[:NSTREAM], axis=1).T
    idx = jnp.concatenate(outs[NSTREAM:2 * NSTREAM], axis=1).T
    z = outs[2 * NSTREAM][0, 0]
    agg = outs[2 * NSTREAM + 1].reshape(NUM_EXPERTS)

    idx0_flat = outs[NSTREAM].reshape(-1)
    idx1_flat = outs[NSTREAM + 1].reshape(-1)
    hist = _sc_hist(idx0_flat, idx1_flat)
    lbl = _tc_lbl(hist, agg, num_tokens)[0, 0]
    return wts, idx, z, lbl

# --- scband reference (transcript-rebuilt; emitter-appended) ---
"""Pipeline reference for scband-top-ktoken-choice-router-10402410791239 (READ-ONLY COPY).

The authoritative reference and input builder live on the scoring server;
editing this copy changes nothing except your own understanding.
"""

import jax, jax.numpy as jnp
import numpy as np

NUM_EXPERTS = 64
TOP_K = 2
HIDDEN = 2048
SEQ_LEN = 4096
BATCH = 2
Z_LOSS_COEFF = 0.001
AUX_LOSS_COEFF = 0.01


def setup_inputs(seed: int = 0) -> dict:
    key = jax.random.key(seed)
    kx, kw = jax.random.split(key)
    x = jax.random.normal(kx, (SEQ_LEN, BATCH, HIDDEN), dtype=jnp.float32)
    # router linear weight, torch Linear convention: [out_features, in_features]
    W = jax.random.normal(kw, (NUM_EXPERTS, HIDDEN), dtype=jnp.float32) * 0.02
    return {"x": x, "W": W}


def reference(x, W):
    # eval-mode forward (no jitter since training-only / jitter_eps=None)
    xf = x.reshape(-1, x.shape[-1])  # (sl*bs, hs)
    logits = xf @ W.T                # (num_tokens, num_experts)

    # z-loss (ST-MoE); MoEAuxLossAutoScaler is identity in forward
    z_loss = jnp.mean(jnp.square(jax.nn.logsumexp(logits, axis=-1))) * Z_LOSS_COEFF

    scores = jax.nn.softmax(logits, axis=-1)
    expert_weights, expert_indices = jax.lax.top_k(scores, TOP_K)

    # histogram of expert assignments (computed under no_grad in torch)
    tokens_per_expert = jnp.bincount(
        expert_indices.reshape(-1), length=NUM_EXPERTS
    ).astype(scores.dtype)

    # switch load-balancing loss
    num_tokens = scores.shape[0]
    aggregated_probs_per_expert = scores.sum(axis=0)
    lbl_loss = jnp.sum(aggregated_probs_per_expert * tokens_per_expert) * (
        NUM_EXPERTS * AUX_LOSS_COEFF / (num_tokens * num_tokens * TOP_K)
    )

    return expert_weights, expert_indices, z_loss, lbl_loss

if __name__ == "__main__":
    import jax
    _d = setup_inputs()
    print(jax.jit(kernel)(*tuple(_d.values())))

</pallas_src>

<mosaic_0001>
#map = affine_map<(d0, d1) -> (0)>
module attributes {stable_mosaic.version = 14 : i64} {
  func.func @_sc_hist_body(%arg0: i32, %arg1: i32, %arg2: memref<8192xi32, #tpu.memory_space<hbm>>, %arg3: memref<8192xi32, #tpu.memory_space<hbm>>, %arg4: memref<64xf32, #tpu.memory_space<hbm>>, %arg5: memref<1024xi32, #tpu.memory_space<vmem>>, %arg6: memref<1024xf32, #tpu.memory_space<vmem>>, %arg7: memref<64xf32, #tpu.memory_space<vmem>>, %arg8: memref<64xf32, #tpu.memory_space<vmem>>, %arg9: memref<64xf32, #tpu.memory_space<vmem_shared>>) attributes {dimension_semantics = [#tpu.dimension_semantics<core_parallel>, #tpu.dimension_semantics<subcore_parallel>], iteration_bounds = array<i64: 1, 16>, scalar_prefetch = 0 : i64, scratch_operands = 5 : i64, tpu.core_type = #tpu.core_type<sc_vector_subcore>, window_params = [{transform_indices = #map}, {transform_indices = #map}, {transform_indices = #map}]} {
    %mul3A = arith.constant 512 : i32
    %mul3A_0 = arith.muli %arg1, %mul3A : i32
    "tpu.region"() ({
      %run_scoped3A = tpu.sem_alloc : memref<!tpu.dma_semaphore, #tpu.memory_space<semaphore_mem>>
      %dma_start3A = arith.constant 0 : i32
      %dma_start3A_391 = tpu.memref_slice %arg5[%dma_start3A] : memref<1024xi32, #tpu.memory_space<vmem>> -> memref<512xi32, #tpu.memory_space<vmem>>
      %dma_start3A_392 = tpu.memref_slice %arg2[%mul3A_0] : memref<8192xi32, #tpu.memory_space<hbm>> -> memref<512xi32, #tpu.memory_space<hbm>>
      %dma_start3A_393 = arith.constant 0 : i32
      %dma_start3A_394 = tpu.memref_slice %arg5[%dma_start3A_393] : memref<1024xi32, #tpu.memory_space<vmem>> -> memref<512xi32, #tpu.memory_space<vmem>>
      %dma_start3A_395 = tpu.memref_slice %arg2[%mul3A_0] : memref<8192xi32, #tpu.memory_space<hbm>> -> memref<512xi32, #tpu.memory_space<hbm>>
      tpu.enqueue_dma source(%dma_start3A_395 : memref<512xi32, #tpu.memory_space<hbm>>) target(%dma_start3A_394 : memref<512xi32, #tpu.memory_space<vmem>>) target_semaphore(%run_scoped3A : memref<!tpu.dma_semaphore, #tpu.memory_space<semaphore_mem>>)
      %dma_wait3A = arith.constant 0 : i32
      %dma_wait3A_396 = tpu.memref_slice %arg5[%dma_wait3A] : memref<1024xi32, #tpu.memory_space<vmem>> -> memref<512xi32, #tpu.memory_space<vmem>>
      %dma_wait3A_397 = tpu.memref_slice %arg2[%mul3A_0] : memref<8192xi32, #tpu.memory_space<hbm>> -> memref<512xi32, #tpu.memory_space<hbm>>
      %dma_wait3A_398 = arith.constant 0 : i32
      %dma_wait3A_399 = tpu.memref_slice %arg5[%dma_wait3A_398] : memref<1024xi32, #tpu.memory_space<vmem>> -> memref<512xi32, #tpu.memory_space<vmem>>
      %dma_wait3A_400 = tpu.memref_slice %arg2[%mul3A_0] : memref<8192xi32, #tpu.memory_space<hbm>> -> memref<512xi32, #tpu.memory_space<hbm>>
      tpu.wait_dma2 semaphore(%run_scoped3A : memref<!tpu.dma_semaphore, #tpu.memory_space<semaphore_mem>>) src(%dma_wait3A_400 : memref<512xi32, #tpu.memory_space<hbm>>) dst(%dma_wait3A_399 : memref<512xi32, #tpu.memory_space<vmem>>)
      tpu.yield
    }) : () -> ()
    "tpu.region"() ({
      %run_scoped3A = tpu.sem_alloc : memref<!tpu.dma_semaphore, #tpu.memory_space<semaphore_mem>>
      %dma_start3A = arith.constant 512 : i32
      %dma_start3A_391 = tpu.memref_slice %arg5[%dma_start3A] : memref<1024xi32, #tpu.memory_space<vmem>> -> memref<512xi32, #tpu.memory_space<vmem>>
      %dma_start3A_392 = tpu.memref_slice %arg3[%mul3A_0] : memref<8192xi32, #tpu.memory_space<hbm>> -> memref<512xi32, #tpu.memory_space<hbm>>
      %dma_start3A_393 = arith.constant 512 : i32
      %dma_start3A_394 = tpu.memref_slice %arg5[%dma_start3A_393] : memref<1024xi32, #tpu.memory_space<vmem>> -> memref<512xi32, #tpu.memory_space<vmem>>
      %dma_start3A_395 = tpu.memref_slice %arg3[%mul3A_0] : memref<8192xi32, #tpu.memory_space<hbm>> -> memref<512xi32, #tpu.memory_space<hbm>>
      tpu.enqueue_dma source(%dma_start3A_395 : memref<512xi32, #tpu.memory_space<hbm>>) target(%dma_start3A_394 : memref<512xi32, #tpu.memory_space<vmem>>) target_semaphore(%run_scoped3A : memref<!tpu.dma_semaphore, #tpu.memory_space<semaphore_mem>>)
      %dma_wait3A = arith.constant 512 : i32
      %dma_wait3A_396 = tpu.memref_slice %arg5[%dma_wait3A] : memref<1024xi32, #tpu.memory_space<vmem>> -> memref<512xi32, #tpu.memory_space<vmem>>
      %dma_wait3A_397 = tpu.memref_slice %arg3[%mul3A_0] : memref<8192xi32, #tpu.memory_space<hbm>> -> memref<512xi32, #tpu.memory_space<hbm>>
      %dma_wait3A_398 = arith.constant 512 : i32
      %dma_wait3A_399 = tpu.memref_slice %arg5[%dma_wait3A_398] : memref<1024xi32, #tpu.memory_space<vmem>> -> memref<512xi32, #tpu.memory_space<vmem>>
      %dma_wait3A_400 = tpu.memref_slice %arg3[%mul3A_0] : memref<8192xi32, #tpu.memory_space<hbm>> -> memref<512xi32, #tpu.memory_space<hbm>>
      tpu.wait_dma2 semaphore(%run_scoped3A : memref<!tpu.dma_semaphore, #tpu.memory_space<semaphore_mem>>) src(%dma_wait3A_400 : memref<512xi32, #tpu.memory_space<hbm>>) dst(%dma_wait3A_399 : memref<512xi32, #tpu.memory_space<vmem>>)
      tpu.yield
    }) : () -> ()
    %broadcast_in_dim3A = arith.constant 1.000000e+00 : f32
    %broadcast_in_dim3A_1 = vector.broadcast %broadcast_in_dim3A : f32 to vector<16xf32>
    %swap3A = arith.constant 0 : index
    %swap3A_2 = tpu.vector_load %arg6[%swap3A] {strides = array<i32>} : memref<1024xf32, #tpu.memory_space<vmem>>, vector<16xf32>,
    %swap3A_3 = vector.shape_cast %swap3A_2 : vector<16xf32> to vector<16xf32>
    %swap3A_4 = vector.shape_cast %broadcast_in_dim3A_1 : vector<16xf32> to vector<16xf32>
    tpu.vector_store %arg6[%swap3A], %swap3A_4 {strides = array<i32>} : memref<1024xf32, #tpu.memory_space<vmem>>, vector<16xf32>,
    %broadcast_in_dim3A_5 = arith.constant 1.000000e+00 : f32
    %broadcast_in_dim3A_6 = vector.broadcast %broadcast_in_dim3A_5 : f32 to vector<16xf32>
    %swap3A_7 = arith.constant 16 : index
    %swap3A_8 = tpu.vector_load %arg6[%swap3A_7] {strides = array<i32>} : memref<1024xf32, #tpu.memory_space<vmem>>, vector<16xf32>,
    %swap3A_9 = vector.shape_cast %swap3A_8 : vector<16xf32> to vector<16xf32>
    %swap3A_10 = vector.shape_cast %broadcast_in_dim3A_6 : vector<16xf32> to vector<16xf32>
    tpu.vector_store %arg6[%swap3A_7], %swap3A_10 {strides = array<i32>} : memref<1024xf32, #tpu.memory_space<vmem>>, vector<16xf32>,
    %broadcast_in_dim3A_11 = arith.constant 1.000000e+00 : f32
    %broadcast_in_dim3A_12 = vector.broadcast %broadcast_in_dim3A_11 : f32 to vector<16xf32>
    %swap3A_13 = arith.constant 32 : index
    %swap3A_14 = tpu.vector_load %arg6[%swap3A_13] {strides = array<i32>} : memref<1024xf32, #tpu.memory_space<vmem>>, vector<16xf32>,
    %swap3A_15 = vector.shape_cast %swap3A_14 : vector<16xf32> to vector<16xf32>
    %swap3A_16 = vector.shape_cast %broadcast_in_dim3A_12 : vector<16xf32> to vector<16xf32>
    tpu.vector_store %arg6[%swap3A_13], %swap3A_16 {strides = array<i32>} : memref<1024xf32, #tpu.memory_space<vmem>>, vector<16xf32>,
    %broadcast_in_dim3A_17 = arith.constant 1.000000e+00 : f32
    %broadcast_in_dim3A_18 = vector.broadcast %broadcast_in_dim3A_17 : f32 to vector<16xf32>
    %swap3A_19 = arith.constant 48 : index
    %swap3A_20 = tpu.vector_load %arg6[%swap3A_19] {strides = array<i32>} : memref<1024xf32, #tpu.memory_space<vmem>>, vector<16xf32>,
    %swap3A_21 = vector.shape_cast %swap3A_20 : vector<16xf32> to vector<16xf32>
    %swap3A_22 = vector.shape_cast %broadcast_in_dim3A_18 : vector<16xf32> to vector<16xf32>
    tpu.vector_store %arg6[%swap3A_19], %swap3A_22 {strides = array<i32>} : memref<1024xf32, #tpu.memory_space<vmem>>, vector<16xf32>,
    %broadcast_in_dim3A_23 = arith.constant 1.000000e+00 : f32
    %broadcast_in_dim3A_24 = vector.broadcast %broadcast_in_dim3A_23 : f32 to vector<16xf32>
    %swap3A_25 = arith.constant 64 : index
    %swap3A_26 = tpu.vector_load %arg6[%swap3A_25] {strides = array<i32>} : memref<1024xf32, #tpu.memory_space<vmem>>, vector<16xf32>,
    %swap3A_27 = vector.shape_cast %swap3A_26 : vector<16xf32> to vector<16xf32>
    %swap3A_28 = vector.shape_cast %broadcast_in_dim3A_24 : vector<16xf32> to vector<16xf32>
    tpu.vector_store %arg6[%swap3A_25], %swap3A_28 {strides = array<i32>} : memref<1024xf32, #tpu.memory_space<vmem>>, vector<16xf32>,
    %broadcast_in_dim3A_29 = arith.constant 1.000000e+00 : f32
    %broadcast_in_dim3A_30 = vector.broadcast %broadcast_in_dim3A_29 : f32 to vector<16xf32>
    %swap3A_31 = arith.constant 80 : index
    %swap3A_32 = tpu.vector_load %arg6[%swap3A_31] {strides = array<i32>} : memref<1024xf32, #tpu.memory_space<vmem>>, vector<16xf32>,
    %swap3A_33 = vector.shape_cast %swap3A_32 : vector<16xf32> to vector<16xf32>
    %swap3A_34 = vector.shape_cast %broadcast_in_dim3A_30 : vector<16xf32> to vector<16xf32>
    tpu.vector_store %arg6[%swap3A_31], %swap3A_34 {strides = array<i32>} : memref<1024xf32, #tpu.memory_space<vmem>>, vector<16xf32>,
    %broadcast_in_dim3A_35 = arith.constant 1.000000e+00 : f32
    %broadcast_in_dim3A_36 = vector.broadcast %broadcast_in_dim3A_35 : f32 to vector<16xf32>
    %swap3A_37 = arith.constant 96 : index
    %swap3A_38 = tpu.vector_load %arg6[%swap3A_37] {strides = array<i32>} : memref<1024xf32, #tpu.memory_space<vmem>>, vector<16xf32>,
    %swap3A_39 = vector.shape_cast %swap3A_38 : vector<16xf32> to vector<16xf32>
    %swap3A_40 = vector.shape_cast %broadcast_in_dim3A_36 : vector<16xf32> to vector<16xf32>
    tpu.vector_store %arg6[%swap3A_37], %swap3A_40 {strides = array<i32>} : memref<1024xf32, #tpu.memory_space<vmem>>, vector<16xf32>,
    %broadcast_in_dim3A_41 = arith.constant 1.000000e+00 : f32
    %broadcast_in_dim3A_42 = vector.broadcast %broadcast_in_dim3A_41 : f32 to vector<16xf32>
    %swap3A_43 = arith.constant 112 : index
    %swap3A_44 = tpu.vector_load %arg6[%swap3A_43] {strides = array<i32>} : memref<1024xf32, #tpu.memory_space<vmem>>, vector<16xf32>,
    %swap3A_45 = vector.shape_cast %swap3A_44 : vector<16xf32> to vector<16xf32>
    %swap3A_46 = vector.shape_cast %broadcast_in_dim3A_42 : vector<16xf32> to vector<16xf32>
    tpu.vector_store %arg6[%swap3A_43], %swap3A_46 {strides = array<i32>} : memref<1024xf32, #tpu.memory_space<vmem>>, vector<16xf32>,
    %broadcast_in_dim3A_47 = arith.constant 1.000000e+00 : f32
    %broadcast_in_dim3A_48 = vector.broadcast %broadcast_in_dim3A_47 : f32 to vector<16xf32>
    %swap3A_49 = arith.constant 128 : index
    %swap3A_50 = tpu.vector_load %arg6[%swap3A_49] {strides = array<i32>} : memref<1024xf32, #tpu.memory_space<vmem>>, vector<16xf32>,
    %swap3A_51 = vector.shape_cast %swap3A_50 : vector<16xf32> to vector<16xf32>
    %swap3A_52 = vector.shape_cast %broadcast_in_dim3A_48 : vector<16xf32> to vector<16xf32>
    tpu.vector_store %arg6[%swap3A_49], %swap3A_52 {strides = array<i32>} : memref<1024xf32, #tpu.memory_space<vmem>>, vector<16xf32>,
    %broadcast_in_dim3A_53 = arith.constant 1.000000e+00 : f32
    %broadcast_in_dim3A_54 = vector.broadcast %broadcast_in_dim3A_53 : f32 to vector<16xf32>
    %swap3A_55 = arith.constant 144 : index
    %swap3A_56 = tpu.vector_load %arg6[%swap3A_55] {strides = array<i32>} : memref<1024xf32, #tpu.memory_space<vmem>>, vector<16xf32>,
    %swap3A_57 = vector.shape_cast %swap3A_56 : vector<16xf32> to vector<16xf32>
    %swap3A_58 = vector.shape_cast %broadcast_in_dim3A_54 : vector<16xf32> to vector<16xf32>
    tpu.vector_store %arg6[%swap3A_55], %swap3A_58 {strides = array<i32>} : memref<1024xf32, #tpu.memory_space<vmem>>, vector<16xf32>,
    %broadcast_in_dim3A_59 = arith.constant 1.000000e+00 : f32
    %broadcast_in_dim3A_60 = vector.broadcast %broadcast_in_dim3A_59 : f32 to vector<16xf32>
    %swap3A_61 = arith.constant 160 : index
    %swap3A_62 = tpu.vector_load %arg6[%swap3A_61] {strides = array<i32>} : memref<1024xf32, #tpu.memory_space<vmem>>, vector<16xf32>,
    %swap3A_63 = vector.shape_cast %swap3A_62 : vector<16xf32> to vector<16xf32>
    %swap3A_64 = vector.shape_cast %broadcast_in_dim3A_60 : vector<16xf32> to vector<16xf32>
    tpu.vector_store %arg6[%swap3A_61], %swap3A_64 {strides = array<i32>} : memref<1024xf32, #tpu.memory_space<vmem>>, vector<16xf32>,
    %broadcast_in_dim3A_65 = arith.constant 1.000000e+00 : f32
    %broadcast_in_dim3A_66 = vector.broadcast %broadcast_in_dim3A_65 : f32 to vector<16xf32>
    %swap3A_67 = arith.constant 176 : index
    %swap3A_68 = tpu.vector_load %arg6[%swap3A_67] {strides = array<i32>} : memref<1024xf32, #tpu.memory_space<vmem>>, vector<16xf32>,
    %swap3A_69 = vector.shape_cast %swap3A_68 : vector<16xf32> to vector<16xf32>
    %swap3A_70 = vector.shape_cast %broadcast_in_dim3A_66 : vector<16xf32> to vector<16xf32>
    tpu.vector_store %arg6[%swap3A_67], %swap3A_70 {strides = array<i32>} : memref<1024xf32, #tpu.memory_space<vmem>>, vector<16xf32>,
    %broadcast_in_dim3A_71 = arith.constant 1.000000e+00 : f32
    %broadcast_in_dim3A_72 = vector.broadcast %broadcast_in_dim3A_71 : f32 to vector<16xf32>
    %swap3A_73 = arith.constant 192 : index
    %swap3A_74 = tpu.vector_load %arg6[%swap3A_73] {strides = array<i32>} : memref<1024xf32, #tpu.memory_space<vmem>>, vector<16xf32>,
    %swap3A_75 = vector.shape_cast %swap3A_74 : vector<16xf32> to vector<16xf32>
    %swap3A_76 = vector.shape_cast %broadcast_in_dim3A_72 : vector<16xf32> to vector<16xf32>
    tpu.vector_store %arg6[%swap3A_73], %swap3A_76 {strides = array<i32>} : memref<1024xf32, #tpu.memory_space<vmem>>, vector<16xf32>,
    %broadcast_in_dim3A_77 = arith.constant 1.000000e+00 : f32
    %broadcast_in_dim3A_78 = vector.broadcast %broadcast_in_dim3A_77 : f32 to vector<16xf32>
    %swap3A_79 = arith.constant 208 : index
    %swap3A_80 = tpu.vector_load %arg6[%swap3A_79] {strides = array<i32>} : memref<1024xf32, #tpu.memory_space<vmem>>, vector<16xf32>,
    %swap3A_81 = vector.shape_cast %swap3A_80 : vector<16xf32> to vector<16xf32>
    %swap3A_82 = vector.shape_cast %broadcast_in_dim3A_78 : vector<16xf32> to vector<16xf32>
    tpu.vector_store %arg6[%swap3A_79], %swap3A_82 {strides = array<i32>} : memref<1024xf32, #tpu.memory_space<vmem>>, vector<16xf32>,
    %broadcast_in_dim3A_83 = arith.constant 1.000000e+00 : f32
    %broadcast_in_dim3A_84 = vector.broadcast %broadcast_in_dim3A_83 : f32 to vector<16xf32>
    %swap3A_85 = arith.constant 224 : index
    %swap3A_86 = tpu.vector_load %arg6[%swap3A_85] {strides = array<i32>} : memref<1024xf32, #tpu.memory_space<vmem>>, vector<16xf32>,
    %swap3A_87 = vector.shape_cast %swap3A_86 : vector<16xf32> to vector<16xf32>
    %swap3A_88 = vector.shape_cast %broadcast_in_dim3A_84 : vector<16xf32> to vector<16xf32>
    tpu.vector_store %arg6[%swap3A_85], %swap3A_88 {strides = array<i32>} : memref<1024xf32, #tpu.memory_space<vmem>>, vector<16xf32>,
    %broadcast_in_dim3A_89 = arith.constant 1.000000e+00 : f32
    %broadcast_in_dim3A_90 = vector.broadcast %broadcast_in_dim3A_89 : f32 to vector<16xf32>
    %swap3A_91 = arith.constant 240 : index
    %swap3A_92 = tpu.vector_load %arg6[%swap3A_91] {strides = array<i32>} : memref<1024xf32, #tpu.memory_space<vmem>>, vector<16xf32>,
    %swap3A_93 = vector.shape_cast %swap3A_92 : vector<16xf32> to vector<16xf32>
    %swap3A_94 = vector.shape_cast %broadcast_in_dim3A_90 : vector<16xf32> to vector<16xf32>
    tpu.vector_store %arg6[%swap3A_91], %swap3A_94 {strides = array<i32>} : memref<1024xf32, #tpu.memory_space<vmem>>, vector<16xf32>,
    %broadcast_in_dim3A_95 = arith.constant 1.000000e+00 : f32
    %broadcast_in_dim3A_96 = vector.broadcast %broadcast_in_dim3A_95 : f32 to vector<16xf32>
    %swap3A_97 = arith.constant 256 : index
    %swap3A_98 = tpu.vector_load %arg6[%swap3A_97] {strides = array<i32>} : memref<1024xf32, #tpu.memory_space<vmem>>, vector<16xf32>,
    %swap3A_99 = vector.shape_cast %swap3A_98 : vector<16xf32> to vector<16xf32>
    %swap3A_100 = vector.shape_cast %broadcast_in_dim3A_96 : vector<16xf32> to vector<16xf32>
    tpu.vector_store %arg6[%swap3A_97], %swap3A_100 {strides = array<i32>} : memref<1024xf32, #tpu.memory_space<vmem>>, vector<16xf32>,
    %broadcast_in_dim3A_101 = arith.constant 1.000000e+00 : f32
    %broadcast_in_dim3A_102 = vector.broadcast %broadcast_in_dim3A_101 : f32 to vector<16xf32>
    %swap3A_103 = arith.constant 272 : index
    %swap3A_104 = tpu.vector_load %arg6[%swap3A_103] {strides = array<i32>} : memref<1024xf32, #tpu.memory_space<vmem>>, vector<16xf32>,
    %swap3A_105 = vector.shape_cast %swap3A_104 : vector<16xf32> to vector<16xf32>
    %swap3A_106 = vector.shape_cast %broadcast_in_dim3A_102 : vector<16xf32> to vector<16xf32>
    tpu.vector_store %arg6[%swap3A_103], %swap3A_106 {strides = array<i32>} : memref<1024xf32, #tpu.memory_space<vmem>>, vector<16xf32>,
    %broadcast_in_dim3A_107 = arith.constant 1.000000e+00 : f32
    %broadcast_in_dim3A_108 = vector.broadcast %broadcast_in_dim3A_107 : f32 to vector<16xf32>
    %swap3A_109 = arith.constant 288 : index
    %swap3A_110 = tpu.vector_load %arg6[%swap3A_109] {strides = array<i32>} : memref<1024xf32, #tpu.memory_space<vmem>>, vector<16xf32>,
    %swap3A_111 = vector.shape_cast %swap3A_110 : vector<16xf32> to vector<16xf32>
    %swap3A_112 = vector.shape_cast %broadcast_in_dim3A_108 : vector<16xf32> to vector<16xf32>
    tpu.vector_store %arg6[%swap3A_109], %swap3A_112 {strides = array<i32>} : memref<1024xf32, #tpu.memory_space<vmem>>, vector<16xf32>,
    %broadcast_in_dim3A_113 = arith.constant 1.000000e+00 : f32
    %broadcast_in_dim3A_114 = vector.broadcast %broadcast_in_dim3A_113 : f32 to vector<16xf32>
    %swap3A_115 = arith.constant 304 : index
    %swap3A_116 = tpu.vector_load %arg6[%swap3A_115] {strides = array<i32>} : memref<1024xf32, #tpu.memory_space<vmem>>, vector<16xf32>,
    %swap3A_117 = vector.shape_cast %swap3A_116 : vector<16xf32> to vector<16xf32>
    %swap3A_118 = vector.shape_cast %broadcast_in_dim3A_114 : vector<16xf32> to vector<16xf32>
    tpu.vector_store %arg6[%swap3A_115], %swap3A_118 {strides = array<i32>} : memref<1024xf32, #tpu.memory_space<vmem>>, vector<16xf32>,
    %broadcast_in_dim3A_119 = arith.constant 1.000000e+00 : f32
    %broadcast_in_dim3A_120 = vector.broadcast %broadcast_in_dim3A_119 : f32 to vector<16xf32>
    %swap3A_121 = arith.constant 320 : index
    %swap3A_122 = tpu.vector_load %arg6[%swap3A_121] {strides = array<i32>} : memref<1024xf32, #tpu.memory_space<vmem>>, vector<16xf32>,
    %swap3A_123 = vector.shape_cast %swap3A_122 : vector<16xf32> to vector<16xf32>
    %swap3A_124 = vector.shape_cast %broadcast_in_dim3A_120 : vector<16xf32> to vector<16xf32>
    tpu.vector_store %arg6[%swap3A_121], %swap3A_124 {strides = array<i32>} : memref<1024xf32, #tpu.memory_space<vmem>>, vector<16xf32>,
    %broadcast_in_dim3A_125 = arith.constant 1.000000e+00 : f32
    %broadcast_in_dim3A_126 = vector.broadcast %broadcast_in_dim3A_125 : f32 to vector<16xf32>
    %swap3A_127 = arith.constant 336 : index
    %swap3A_128 = tpu.vector_load %arg6[%swap3A_127] {strides = array<i32>} : memref<1024xf32, #tpu.memory_space<vmem>>, vector<16xf32>,
    %swap3A_129 = vector.shape_cast %swap3A_128 : vector<16xf32> to vector<16xf32>
    %swap3A_130 = vector.shape_cast %broadcast_in_dim3A_126 : vector<16xf32> to vector<16xf32>
    tpu.vector_store %arg6[%swap3A_127], %swap3A_130 {strides = array<i32>} : memref<1024xf32, #tpu.memory_space<vmem>>, vector<16xf32>,
    %broadcast_in_dim3A_131 = arith.constant 1.000000e+00 : f32
    %broadcast_in_dim3A_132 = vector.broadcast %broadcast_in_dim3A_131 : f32 to vector<16xf32>
    %swap3A_133 = arith.constant 352 : index
    %swap3A_134 = tpu.vector_load %arg6[%swap3A_133] {strides = array<i32>} : memref<1024xf32, #tpu.memory_space<vmem>>, vector<16xf32>,
    %swap3A_135 = vector.shape_cast %swap3A_134 : vector<16xf32> to vector<16xf32>
    %swap3A_136 = vector.shape_cast %broadcast_in_dim3A_132 : vector<16xf32> to vector<16xf32>
    tpu.vector_store %arg6[%swap3A_133], %swap3A_136 {strides = array<i32>} : memref<1024xf32, #tpu.memory_space<vmem>>, vector<16xf32>,
    %broadcast_in_dim3A_137 = arith.constant 1.000000e+00 : f32
    %broadcast_in_dim3A_138 = vector.broadcast %broadcast_in_dim3A_137 : f32 to vector<16xf32>
    %swap3A_139 = arith.constant 368 : index
    %swap3A_140 = tpu.vector_load %arg6[%swap3A_139] {strides = array<i32>} : memref<1024xf32, #tpu.memory_space<vmem>>, vector<16xf32>,
    %swap3A_141 = vector.shape_cast %swap3A_140 : vector<16xf32> to vector<16xf32>
    %swap3A_142 = vector.shape_cast %broadcast_in_dim3A_138 : vector<16xf32> to vector<16xf32>
    tpu.vector_store %arg6[%swap3A_139], %swap3A_142 {strides = array<i32>} : memref<1024xf32, #tpu.memory_space<vmem>>, vector<16xf32>,
    %broadcast_in_dim3A_143 = arith.constant 1.000000e+00 : f32
    %broadcast_in_dim3A_144 = vector.broadcast %broadcast_in_dim3A_143 : f32 to vector<16xf32>
    %swap3A_145 = arith.constant 384 : index
    %swap3A_146 = tpu.vector_load %arg6[%swap3A_145] {strides = array<i32>} : memref<1024xf32, #tpu.memory_space<vmem>>, vector<16xf32>,
    %swap3A_147 = vector.shape_cast %swap3A_146 : vector<16xf32> to vector<16xf32>
    %swap3A_148 = vector.shape_cast %broadcast_in_dim3A_144 : vector<16xf32> to vector<16xf32>
    tpu.vector_store %arg6[%swap3A_145], %swap3A_148 {strides = array<i32>} : memref<1024xf32, #tpu.memory_space<vmem>>, vector<16xf32>,
    %broadcast_in_dim3A_149 = arith.constant 1.000000e+00 : f32
    %broadcast_in_dim3A_150 = vector.broadcast %broadcast_in_dim3A_149 : f32 to vector<16xf32>
    %swap3A_151 = arith.constant 400 : index
    %swap3A_152 = tpu.vector_load %arg6[%swap3A_151] {strides = array<i32>} : memref<1024xf32, #tpu.memory_space<vmem>>, vector<16xf32>,
    %swap3A_153 = vector.shape_cast %swap3A_152 : vector<16xf32> to vector<16xf32>
    %swap3A_154 = vector.shape_cast %broadcast_in_dim3A_150 : vector<16xf32> to vector<16xf32>
    tpu.vector_store %arg6[%swap3A_151], %swap3A_154 {strides = array<i32>} : memref<1024xf32, #tpu.memory_space<vmem>>, vector<16xf32>,
    %broadcast_in_dim3A_155 = arith.constant 1.000000e+00 : f32
    %broadcast_in_dim3A_156 = vector.broadcast %broadcast_in_dim3A_155 : f32 to vector<16xf32>
    %swap3A_157 = arith.constant 416 : index
    %swap3A_158 = tpu.vector_load %arg6[%swap3A_157] {strides = array<i32>} : memref<1024xf32, #tpu.memory_space<vmem>>, vector<16xf32>,
    %swap3A_159 = vector.shape_cast %swap3A_158 : vector<16xf32> to vector<16xf32>
    %swap3A_160 = vector.shape_cast %broadcast_in_dim3A_156 : vector<16xf32> to vector<16xf32>
    tpu.vector_store %arg6[%swap3A_157], %swap3A_160 {strides = array<i32>} : memref<1024xf32, #tpu.memory_space<vmem>>, vector<16xf32>,
    %broadcast_in_dim3A_161 = arith.constant 1.000000e+00 : f32
    %broadcast_in_dim3A_162 = vector.broadcast %broadcast_in_dim3A_161 : f32 to vector<16xf32>
    %swap3A_163 = arith.constant 432 : index
    %swap3A_164 = tpu.vector_load %arg6[%swap3A_163] {strides = array<i32>} : memref<1024xf32, #tpu.memory_space<vmem>>, vector<16xf32>,
    %swap3A_165 = vector.shape_cast %swap3A_164 : vector<16xf32> to vector<16xf32>
    %swap3A_166 = vector.shape_cast %broadcast_in_dim3A_162 : vector<16xf32> to vector<16xf32>
    tpu.vector_store %arg6[%swap3A_163], %swap3A_166 {strides = array<i32>} : memref<1024xf32, #tpu.memory_space<vmem>>, vector<16xf32>,
    %broadcast_in_dim3A_167 = arith.constant 1.000000e+00 : f32
    %broadcast_in_dim3A_168 = vector.broadcast %broadcast_in_dim3A_167 : f32 to vector<16xf32>
    %swap3A_169 = arith.constant 448 : index
    %swap3A_170 = tpu.vector_load %arg6[%swap3A_169] {strides = array<i32>} : memref<1024xf32, #tpu.memory_space<vmem>>, vector<16xf32>,
    %swap3A_171 = vector.shape_cast %swap3A_170 : vector<16xf32> to vector<16xf32>
    %swap3A_172 = vector.shape_cast %broadcast_in_dim3A_168 : vector<16xf32> to vector<16xf32>
    tpu.vector_store %arg6[%swap3A_169], %swap3A_172 {strides = array<i32>} : memref<1024xf32, #tpu.memory_space<vmem>>, vector<16xf32>,
    %broadcast_in_dim3A_173 = arith.constant 1.000000e+00 : f32
    %broadcast_in_dim3A_174 = vector.broadcast %broadcast_in_dim3A_173 : f32 to vector<16xf32>
    %swap3A_175 = arith.constant 464 : index
    %swap3A_176 = tpu.vector_load %arg6[%swap3A_175] {strides = array<i32>} : memref<1024xf32, #tpu.memory_space<vmem>>, vector<16xf32>,
    %swap3A_177 = vector.shape_cast %swap3A_176 : vector<16xf32> to vector<16xf32>
    %swap3A_178 = vector.shape_cast %broadcast_in_dim3A_174 : vector<16xf32> to vector<16xf32>
    tpu.vector_store %arg6[%swap3A_175], %swap3A_178 {strides = array<i32>} : memref<1024xf32, #tpu.memory_space<vmem>>, vector<16xf32>,
    %broadcast_in_dim3A_179 = arith.constant 1.000000e+00 : f32
    %broadcast_in_dim3A_180 = vector.broadcast %broadcast_in_dim3A_179 : f32 to vector<16xf32>
    %swap3A_181 = arith.constant 480 : index
    %swap3A_182 = tpu.vector_load %arg6[%swap3A_181] {strides = array<i32>} : memref<1024xf32, #tpu.memory_space<vmem>>, vector<16xf32>,
    %swap3A_183 = vector.shape_cast %swap3A_182 : vector<16xf32> to vector<16xf32>
    %swap3A_184 = vector.shape_cast %broadcast_in_dim3A_180 : vector<16xf32> to vector<16xf32>
    tpu.vector_store %arg6[%swap3A_181], %swap3A_184 {strides = array<i32>} : memref<1024xf32, #tpu.memory_space<vmem>>, vector<16xf32>,
    %broadcast_in_dim3A_185 = arith.constant 1.000000e+00 : f32
    %broadcast_in_dim3A_186 = vector.broadcast %broadcast_in_dim3A_185 : f32 to vector<16xf32>
    %swap3A_187 = arith.constant 496 : index
    %swap3A_188 = tpu.vector_load %arg6[%swap3A_187] {strides = array<i32>} : memref<1024xf32, #tpu.memory_space<vmem>>, vector<16xf32>,
    %swap3A_189 = vector.shape_cast %swap3A_188 : vector<16xf32> to vector<16xf32>
    %swap3A_190 = vector.shape_cast %broadcast_in_dim3A_186 : vector<16xf32> to vector<16xf32>
    tpu.vector_store %arg6[%swap3A_187], %swap3A_190 {strides = array<i32>} : memref<1024xf32, #tpu.memory_space<vmem>>, vector<16xf32>,
    %broadcast_in_dim3A_191 = arith.constant 1.000000e+00 : f32
    %broadcast_in_dim3A_192 = vector.broadcast %broadcast_in_dim3A_191 : f32 to vector<16xf32>
    %swap3A_193 = arith.constant 512 : index
    %swap3A_194 = tpu.vector_load %arg6[%swap3A_193] {strides = array<i32>} : memref<1024xf32, #tpu.memory_space<vmem>>, vector<16xf32>,
    %swap3A_195 = vector.shape_cast %swap3A_194 : vector<16xf32> to vector<16xf32>
    %swap3A_196 = vector.shape_cast %broadcast_in_dim3A_192 : vector<16xf32> to vector<16xf32>
    tpu.vector_store %arg6[%swap3A_193], %swap3A_196 {strides = array<i32>} : memref<1024xf32, #tpu.memory_space<vmem>>, vector<16xf32>,
    %broadcast_in_dim3A_197 = arith.constant 1.000000e+00 : f32
    %broadcast_in_dim3A_198 = vector.broadcast %broadcast_in_dim3A_197 : f32 to vector<16xf32>
    %swap3A_199 = arith.constant 528 : index
    %swap3A_200 = tpu.vector_load %arg6[%swap3A_199] {strides = array<i32>} : memref<1024xf32, #tpu.memory_space<vmem>>, vector<16xf32>,
    %swap3A_201 = vector.shape_cast %swap3A_200 : vector<16xf32> to vector<16xf32>
    %swap3A_202 = vector.shape_cast %broadcast_in_dim3A_198 : vector<16xf32> to vector<16xf32>
    tpu.vector_store %arg6[%swap3A_199], %swap3A_202 {strides = array<i32>} : memref<1024xf32, #tpu.memory_space<vmem>>, vector<16xf32>,
    %broadcast_in_dim3A_203 = arith.constant 1.000000e+00 : f32
    %broadcast_in_dim3A_204 = vector.broadcast %broadcast_in_dim3A_203 : f32 to vector<16xf32>
    %swap3A_205 = arith.constant 544 : index
    %swap3A_206 = tpu.vector_load %arg6[%swap3A_205] {strides = array<i32>} : memref<1024xf32, #tpu.memory_space<vmem>>, vector<16xf32>,
    %swap3A_207 = vector.shape_cast %swap3A_206 : vector<16xf32> to vector<16xf32>
    %swap3A_208 = vector.shape_cast %broadcast_in_dim3A_204 : vector<16xf32> to vector<16xf32>
    tpu.vector_store %arg6[%swap3A_205], %swap3A_208 {strides = array<i32>} : memref<1024xf32, #tpu.memory_space<vmem>>, vector<16xf32>,
    %broadcast_in_dim3A_209 = arith.constant 1.000000e+00 : f32
    %broadcast_in_dim3A_210 = vector.broadcast %broadcast_in_dim3A_209 : f32 to vector<16xf32>
    %swap3A_211 = arith.constant 560 : index
    %swap3A_212 = tpu.vector_load %arg6[%swap3A_211] {strides = array<i32>} : memref<1024xf32, #tpu.memory_space<vmem>>, vector<16xf32>,
    %swap3A_213 = vector.shape_cast %swap3A_212 : vector<16xf32> to vector<16xf32>
    %swap3A_214 = vector.shape_cast %broadcast_in_dim3A_210 : vector<16xf32> to vector<16xf32>
    tpu.vector_store %arg6[%swap3A_211], %swap3A_214 {strides = array<i32>} : memref<1024xf32, #tpu.memory_space<vmem>>, vector<16xf32>,
    %broadcast_in_dim3A_215 = arith.constant 1.000000e+00 : f32
    %broadcast_in_dim3A_216 = vector.broadcast %broadcast_in_dim3A_215 : f32 to vector<16xf32>
    %swap3A_217 = arith.constant 576 : index
    %swap3A_218 = tpu.vector_load %arg6[%swap3A_217] {strides = array<i32>} : memref<1024xf32, #tpu.memory_space<vmem>>, vector<16xf32>,
    %swap3A_219 = vector.shape_cast %swap3A_218 : vector<16xf32> to vector<16xf32>
    %swap3A_220 = vector.shape_cast %broadcast_in_dim3A_216 : vector<16xf32> to vector<16xf32>
    tpu.vector_store %arg6[%swap3A_217], %swap3A_220 {strides = array<i32>} : memref<1024xf32, #tpu.memory_space<vmem>>, vector<16xf32>,
    %broadcast_in_dim3A_221 = arith.constant 1.000000e+00 : f32
    %broadcast_in_dim3A_222 = vector.broadcast %broadcast_in_dim3A_221 : f32 to vector<16xf32>
    %swap3A_223 = arith.constant 592 : index
    %swap3A_224 = tpu.vector_load %arg6[%swap3A_223] {strides = array<i32>} : memref<1024xf32, #tpu.memory_space<vmem>>, vector<16xf32>,
    %swap3A_225 = vector.shape_cast %swap3A_224 : vector<16xf32> to vector<16xf32>
    %swap3A_226 = vector.shape_cast %broadcast_in_dim3A_222 : vector<16xf32> to vector<16xf32>
    tpu.vector_store %arg6[%swap3A_223], %swap3A_226 {strides = array<i32>} : memref<1024xf32, #tpu.memory_space<vmem>>, vector<16xf32>,
    %broadcast_in_dim3A_227 = arith.constant 1.000000e+00 : f32
    %broadcast_in_dim3A_228 = vector.broadcast %broadcast_in_dim3A_227 : f32 to vector<16xf32>
    %swap3A_229 = arith.constant 608 : index
    %swap3A_230 = tpu.vector_load %arg6[%swap3A_229] {strides = array<i32>} : memref<1024xf32, #tpu.memory_space<vmem>>, vector<16xf32>,
    %swap3A_231 = vector.shape_cast %swap3A_230 : vector<16xf32> to vector<16xf32>
    %swap3A_232 = vector.shape_cast %broadcast_in_dim3A_228 : vector<16xf32> to vector<16xf32>
    tpu.vector_store %arg6[%swap3A_229], %swap3A_232 {strides = array<i32>} : memref<1024xf32, #tpu.memory_space<vmem>>, vector<16xf32>,
    %broadcast_in_dim3A_233 = arith.constant 1.000000e+00 : f32
    %broadcast_in_dim3A_234 = vector.broadcast %broadcast_in_dim3A_233 : f32 to vector<16xf32>
    %swap3A_235 = arith.constant 624 : index
    %swap3A_236 = tpu.vector_load %arg6[%swap3A_235] {strides = array<i32>} : memref<1024xf32, #tpu.memory_space<vmem>>, vector<16xf32>,
    %swap3A_237 = vector.shape_cast %swap3A_236 : vector<16xf32> to vector<16xf32>
    %swap3A_238 = vector.shape_cast %broadcast_in_dim3A_234 : vector<16xf32> to vector<16xf32>
    tpu.vector_store %arg6[%swap3A_235], %swap3A_238 {strides = array<i32>} : memref<1024xf32, #tpu.memory_space<vmem>>, vector<16xf32>,
    %broadcast_in_dim3A_239 = arith.constant 1.000000e+00 : f32
    %broadcast_in_dim3A_240 = vector.broadcast %broadcast_in_dim3A_239 : f32 to vector<16xf32>
    %swap3A_241 = arith.constant 640 : index
    %swap3A_242 = tpu.vector_load %arg6[%swap3A_241] {strides = array<i32>} : memref<1024xf32, #tpu.memory_space<vmem>>, vector<16xf32>,
    %swap3A_243 = vector.shape_cast %swap3A_242 : vector<16xf32> to vector<16xf32>
    %swap3A_244 = vector.shape_cast %broadcast_in_dim3A_240 : vector<16xf32> to vector<16xf32>
    tpu.vector_store %arg6[%swap3A_241], %swap3A_244 {strides = array<i32>} : memref<1024xf32, #tpu.memory_space<vmem>>, vector<16xf32>,
    %broadcast_in_dim3A_245 = arith.constant 1.000000e+00 : f32
    %broadcast_in_dim3A_246 = vector.broadcast %broadcast_in_dim3A_245 : f32 to vector<16xf32>
    %swap3A_247 = arith.constant 656 : index
    %swap3A_248 = tpu.vector_load %arg6[%swap3A_247] {strides = array<i32>} : memref<1024xf32, #tpu.memory_space<vmem>>, vector<16xf32>,
    %swap3A_249 = vector.shape_cast %swap3A_248 : vector<16xf32> to vector<16xf32>
    %swap3A_250 = vector.shape_cast %broadcast_in_dim3A_246 : vector<16xf32> to vector<16xf32>
    tpu.vector_store %arg6[%swap3A_247], %swap3A_250 {strides = array<i32>} : memref<1024xf32, #tpu.memory_space<vmem>>, vector<16xf32>,
    %broadcast_in_dim3A_251 = arith.constant 1.000000e+00 : f32
    %broadcast_in_dim3A_252 = vector.broadcast %broadcast_in_dim3A_251 : f32 to vector<16xf32>
    %swap3A_253 = arith.constant 672 : index
    %swap3A_254 = tpu.vector_load %arg6[%swap3A_253] {strides = array<i32>} : memref<1024xf32, #tpu.memory_space<vmem>>, vector<16xf32>,
    %swap3A_255 = vector.shape_cast %swap3A_254 : vector<16xf32> to vector<16xf32>
    %swap3A_256 = vector.shape_cast %broadcast_in_dim3A_252 : vector<16xf32> to vector<16xf32>
    tpu.vector_store %arg6[%swap3A_253], %swap3A_256 {strides = array<i32>} : memref<1024xf32, #tpu.memory_space<vmem>>, vector<16xf32>,
    %broadcast_in_dim3A_257 = arith.constant 1.000000e+00 : f32
    %broadcast_in_dim3A_258 = vector.broadcast %broadcast_in_dim3A_257 : f32 to vector<16xf32>
    %swap3A_259 = arith.constant 688 : index
    %swap3A_260 = tpu.vector_load %arg6[%swap3A_259] {strides = array<i32>} : memref<1024xf32, #tpu.memory_space<vmem>>, vector<16xf32>,
    %swap3A_261 = vector.shape_cast %swap3A_260 : vector<16xf32> to vector<16xf32>
    %swap3A_262 = vector.shape_cast %broadcast_in_dim3A_258 : vector<16xf32> to vector<16xf32>
    tpu.vector_store %arg6[%swap3A_259], %swap3A_262 {strides = array<i32>} : memref<1024xf32, #tpu.memory_space<vmem>>, vector<16xf32>,
    %broadcast_in_dim3A_263 = arith.constant 1.000000e+00 : f32
    %broadcast_in_dim3A_264 = vector.broadcast %broadcast_in_dim3A_263 : f32 to vector<16xf32>
    %swap3A_265 = arith.constant 704 : index
    %swap3A_266 = tpu.vector_load %arg6[%swap3A_265] {strides = array<i32>} : memref<1024xf32, #tpu.memory_space<vmem>>, vector<16xf32>,
    %swap3A_267 = vector.shape_cast %swap3A_266 : vector<16xf32> to vector<16xf32>
    %swap3A_268 = vector.shape_cast %broadcast_in_dim3A_264 : vector<16xf32> to vector<16xf32>
    tpu.vector_store %arg6[%swap3A_265], %swap3A_268 {strides = array<i32>} : memref<1024xf32, #tpu.memory_space<vmem>>, vector<16xf32>,
    %broadcast_in_dim3A_269 = arith.constant 1.000000e+00 : f32
    %broadcast_in_dim3A_270 = vector.broadcast %broadcast_in_dim3A_269 : f32 to vector<16xf32>
    %swap3A_271 = arith.constant 720 : index
    %swap3A_272 = tpu.vector_load %arg6[%swap3A_271] {strides = array<i32>} : memref<1024xf32, #tpu.memory_space<vmem>>, vector<16xf32>,
    %swap3A_273 = vector.shape_cast %swap3A_272 : vector<16xf32> to vector<16xf32>
    %swap3A_274 = vector.shape_cast %broadcast_in_dim3A_270 : vector<16xf32> to vector<16xf32>
    tpu.vector_store %arg6[%swap3A_271], %swap3A_274 {strides = array<i32>} : memref<1024xf32, #tpu.memory_space<vmem>>, vector<16xf32>,
    %broadcast_in_dim3A_275 = arith.constant 1.000000e+00 : f32
    %broadcast_in_dim3A_276 = vector.broadcast %broadcast_in_dim3A_275 : f32 to vector<16xf32>
    %swap3A_277 = arith.constant 736 : index
    %swap3A_278 = tpu.vector_load %arg6[%swap3A_277] {strides = array<i32>} : memref<1024xf32, #tpu.memory_space<vmem>>, vector<16xf32>,
    %swap3A_279 = vector.shape_cast %swap3A_278 : vector<16xf32> to vector<16xf32>
    %swap3A_280 = vector.shape_cast %broadcast_in_dim3A_276 : vector<16xf32> to vector<16xf32>
    tpu.vector_store %arg6[%swap3A_277], %swap3A_280 {strides = array<i32>} : memref<1024xf32, #tpu.memory_space<vmem>>, vector<16xf32>,
    %broadcast_in_dim3A_281 = arith.constant 1.000000e+00 : f32
    %broadcast_in_dim3A_282 = vector.broadcast %broadcast_in_dim3A_281 : f32 to vector<16xf32>
    %swap3A_283 = arith.constant 752 : index
    %swap3A_284 = tpu.vector_load %arg6[%swap3A_283] {strides = array<i32>} : memref<1024xf32, #tpu.memory_space<vmem>>, vector<16xf32>,
    %swap3A_285 = vector.shape_cast %swap3A_284 : vector<16xf32> to vector<16xf32>
    %swap3A_286 = vector.shape_cast %broadcast_in_dim3A_282 : vector<16xf32> to vector<16xf32>
    tpu.vector_store %arg6[%swap3A_283], %swap3A_286 {strides = array<i32>} : memref<1024xf32, #tpu.memory_space<vmem>>, vector<16xf32>,
    %broadcast_in_dim3A_287 = arith.constant 1.000000e+00 : f32
    %broadcast_in_dim3A_288 = vector.broadcast %broadcast_in_dim3A_287 : f32 to vector<16xf32>
    %swap3A_289 = arith.constant 768 : index
    %swap3A_290 = tpu.vector_load %arg6[%swap3A_289] {strides = array<i32>} : memref<1024xf32, #tpu.memory_space<vmem>>, vector<16xf32>,
    %swap3A_291 = vector.shape_cast %swap3A_290 : vector<16xf32> to vector<16xf32>
    %swap3A_292 = vector.shape_cast %broadcast_in_dim3A_288 : vector<16xf32> to vector<16xf32>
    tpu.vector_store %arg6[%swap3A_289], %swap3A_292 {strides = array<i32>} : memref<1024xf32, #tpu.memory_space<vmem>>, vector<16xf32>,
    %broadcast_in_dim3A_293 = arith.constant 1.000000e+00 : f32
    %broadcast_in_dim3A_294 = vector.broadcast %broadcast_in_dim3A_293 : f32 to vector<16xf32>
    %swap3A_295 = arith.constant 784 : index
    %swap3A_296 = tpu.vector_load %arg6[%swap3A_295] {strides = array<i32>} : memref<1024xf32, #tpu.memory_space<vmem>>, vector<16xf32>,
    %swap3A_297 = vector.shape_cast %swap3A_296 : vector<16xf32> to vector<16xf32>
    %swap3A_298 = vector.shape_cast %broadcast_in_dim3A_294 : vector<16xf32> to vector<16xf32>
    tpu.vector_store %arg6[%swap3A_295], %swap3A_298 {strides = array<i32>} : memref<1024xf32, #tpu.memory_space<vmem>>, vector<16xf32>,
    %broadcast_in_dim3A_299 = arith.constant 1.000000e+00 : f32
    %broadcast_in_dim3A_300 = vector.broadcast %broadcast_in_dim3A_299 : f32 to vector<16xf32>
    %swap3A_301 = arith.constant 800 : index
    %swap3A_302 = tpu.vector_load %arg6[%swap3A_301] {strides = array<i32>} : memref<1024xf32, #tpu.memory_space<vmem>>, vector<16xf32>,
    %swap3A_303 = vector.shape_cast %swap3A_302 : vector<16xf32> to vector<16xf32>
    %swap3A_304 = vector.shape_cast %broadcast_in_dim3A_300 : vector<16xf32> to vector<16xf32>
    tpu.vector_store %arg6[%swap3A_301], %swap3A_304 {strides = array<i32>} : memref<1024xf32, #tpu.memory_space<vmem>>, vector<16xf32>,
    %broadcast_in_dim3A_305 = arith.constant 1.000000e+00 : f32
    %broadcast_in_dim3A_306 = vector.broadcast %broadcast_in_dim3A_305 : f32 to vector<16xf32>
    %swap3A_307 = arith.constant 816 : index
    %swap3A_308 = tpu.vector_load %arg6[%swap3A_307] {strides = array<i32>} : memref<1024xf32, #tpu.memory_space<vmem>>, vector<16xf32>,
    %swap3A_309 = vector.shape_cast %swap3A_308 : vector<16xf32> to vector<16xf32>
    %swap3A_310 = vector.shape_cast %broadcast_in_dim3A_306 : vector<16xf32> to vector<16xf32>
    tpu.vector_store %arg6[%swap3A_307], %swap3A_310 {strides = array<i32>} : memref<1024xf32, #tpu.memory_space<vmem>>, vector<16xf32>,
    %broadcast_in_dim3A_311 = arith.constant 1.000000e+00 : f32
    %broadcast_in_dim3A_312 = vector.broadcast %broadcast_in_dim3A_311 : f32 to vector<16xf32>
    %swap3A_313 = arith.constant 832 : index
    %swap3A_314 = tpu.vector_load %arg6[%swap3A_313] {strides = array<i32>} : memref<1024xf32, #tpu.memory_space<vmem>>, vector<16xf32>,
    %swap3A_315 = vector.shape_cast %swap3A_314 : vector<16xf32> to vector<16xf32>
    %swap3A_316 = vector.shape_cast %broadcast_in_dim3A_312 : vector<16xf32> to vector<16xf32>
    tpu.vector_store %arg6[%swap3A_313], %swap3A_316 {strides = array<i32>} : memref<1024xf32, #tpu.memory_space<vmem>>, vector<16xf32>,
    %broadcast_in_dim3A_317 = arith.constant 1.000000e+00 : f32
    %broadcast_in_dim3A_318 = vector.broadcast %broadcast_in_dim3A_317 : f32 to vector<16xf32>
    %swap3A_319 = arith.constant 848 : index
    %swap3A_320 = tpu.vector_load %arg6[%swap3A_319] {strides = array<i32>} : memref<1024xf32, #tpu.memory_space<vmem>>, vector<16xf32>,
    %swap3A_321 = vector.shape_cast %swap3A_320 : vector<16xf32> to vector<16xf32>
    %swap3A_322 = vector.shape_cast %broadcast_in_dim3A_318 : vector<16xf32> to vector<16xf32>
    tpu.vector_store %arg6[%swap3A_319], %swap3A_322 {strides = array<i32>} : memref<1024xf32, #tpu.memory_space<vmem>>, vector<16xf32>,
    %broadcast_in_dim3A_323 = arith.constant 1.000000e+00 : f32
    %broadcast_in_dim3A_324 = vector.broadcast %broadcast_in_dim3A_323 : f32 to vector<16xf32>
    %swap3A_325 = arith.constant 864 : index
    %swap3A_326 = tpu.vector_load %arg6[%swap3A_325] {strides = array<i32>} : memref<1024xf32, #tpu.memory_space<vmem>>, vector<16xf32>,
    %swap3A_327 = vector.shape_cast %swap3A_326 : vector<16xf32> to vector<16xf32>
    %swap3A_328 = vector.shape_cast %broadcast_in_dim3A_324 : vector<16xf32> to vector<16xf32>
    tpu.vector_store %arg6[%swap3A_325], %swap3A_328 {strides = array<i32>} : memref<1024xf32, #tpu.memory_space<vmem>>, vector<16xf32>,
    %broadcast_in_dim3A_329 = arith.constant 1.000000e+00 : f32
    %broadcast_in_dim3A_330 = vector.broadcast %broadcast_in_dim3A_329 : f32 to vector<16xf32>
    %swap3A_331 = arith.constant 880 : index
    %swap3A_332 = tpu.vector_load %arg6[%swap3A_331] {strides = array<i32>} : memref<1024xf32, #tpu.memory_space<vmem>>, vector<16xf32>,
    %swap3A_333 = vector.shape_cast %swap3A_332 : vector<16xf32> to vector<16xf32>
    %swap3A_334 = vector.shape_cast %broadcast_in_dim3A_330 : vector<16xf32> to vector<16xf32>
    tpu.vector_store %arg6[%swap3A_331], %swap3A_334 {strides = array<i32>} : memref<1024xf32, #tpu.memory_space<vmem>>, vector<16xf32>,
    %broadcast_in_dim3A_335 = arith.constant 1.000000e+00 : f32
    %broadcast_in_dim3A_336 = vector.broadcast %broadcast_in_dim3A_335 : f32 to vector<16xf32>
    %swap3A_337 = arith.constant 896 : index
    %swap3A_338 = tpu.vector_load %arg6[%swap3A_337] {strides = array<i32>} : memref<1024xf32, #tpu.memory_space<vmem>>, vector<16xf32>,
    %swap3A_339 = vector.shape_cast %swap3A_338 : vector<16xf32> to vector<16xf32>
    %swap3A_340 = vector.shape_cast %broadcast_in_dim3A_336 : vector<16xf32> to vector<16xf32>
    tpu.vector_store %arg6[%swap3A_337], %swap3A_340 {strides = array<i32>} : memref<1024xf32, #tpu.memory_space<vmem>>, vector<16xf32>,
    %broadcast_in_dim3A_341 = arith.constant 1.000000e+00 : f32
    %broadcast_in_dim3A_342 = vector.broadcast %broadcast_in_dim3A_341 : f32 to vector<16xf32>
    %swap3A_343 = arith.constant 912 : index
    %swap3A_344 = tpu.vector_load %arg6[%swap3A_343] {strides = array<i32>} : memref<1024xf32, #tpu.memory_space<vmem>>, vector<16xf32>,
    %swap3A_345 = vector.shape_cast %swap3A_344 : vector<16xf32> to vector<16xf32>
    %swap3A_346 = vector.shape_cast %broadcast_in_dim3A_342 : vector<16xf32> to vector<16xf32>
    tpu.vector_store %arg6[%swap3A_343], %swap3A_346 {strides = array<i32>} : memref<1024xf32, #tpu.memory_space<vmem>>, vector<16xf32>,
    %broadcast_in_dim3A_347 = arith.constant 1.000000e+00 : f32
    %broadcast_in_dim3A_348 = vector.broadcast %broadcast_in_dim3A_347 : f32 to vector<16xf32>
    %swap3A_349 = arith.constant 928 : index
    %swap3A_350 = tpu.vector_load %arg6[%swap3A_349] {strides = array<i32>} : memref<1024xf32, #tpu.memory_space<vmem>>, vector<16xf32>,
    %swap3A_351 = vector.shape_cast %swap3A_350 : vector<16xf32> to vector<16xf32>
    %swap3A_352 = vector.shape_cast %broadcast_in_dim3A_348 : vector<16xf32> to vector<16xf32>
    tpu.vector_store %arg6[%swap3A_349], %swap3A_352 {strides = array<i32>} : memref<1024xf32, #tpu.memory_space<vmem>>, vector<16xf32>,
    %broadcast_in_dim3A_353 = arith.constant 1.000000e+00 : f32
    %broadcast_in_dim3A_354 = vector.broadcast %broadcast_in_dim3A_353 : f32 to vector<16xf32>
    %swap3A_355 = arith.constant 944 : index
    %swap3A_356 = tpu.vector_load %arg6[%swap3A_355] {strides = array<i32>} : memref<1024xf32, #tpu.memory_space<vmem>>, vector<16xf32>,
    %swap3A_357 = vector.shape_cast %swap3A_356 : vector<16xf32> to vector<16xf32>
    %swap3A_358 = vector.shape_cast %broadcast_in_dim3A_354 : vector<16xf32> to vector<16xf32>
    tpu.vector_store %arg6[%swap3A_355], %swap3A_358 {strides = array<i32>} : memref<1024xf32, #tpu.memory_space<vmem>>, vector<16xf32>,
    %broadcast_in_dim3A_359 = arith.constant 1.000000e+00 : f32
    %broadcast_in_dim3A_360 = vector.broadcast %broadcast_in_dim3A_359 : f32 to vector<16xf32>
    %swap3A_361 = arith.constant 960 : index
    %swap3A_362 = tpu.vector_load %arg6[%swap3A_361] {strides = array<i32>} : memref<1024xf32, #tpu.memory_space<vmem>>, vector<16xf32>,
    %swap3A_363 = vector.shape_cast %swap3A_362 : vector<16xf32> to vector<16xf32>
    %swap3A_364 = vector.shape_cast %broadcast_in_dim3A_360 : vector<16xf32> to vector<16xf32>
    tpu.vector_store %arg6[%swap3A_361], %swap3A_364 {strides = array<i32>} : memref<1024xf32, #tpu.memory_space<vmem>>, vector<16xf32>,
    %broadcast_in_dim3A_365 = arith.constant 1.000000e+00 : f32
    %broadcast_in_dim3A_366 = vector.broadcast %broadcast_in_dim3A_365 : f32 to vector<16xf32>
    %swap3A_367 = arith.constant 976 : index
    %swap3A_368 = tpu.vector_load %arg6[%swap3A_367] {strides = array<i32>} : memref<1024xf32, #tpu.memory_space<vmem>>, vector<16xf32>,
    %swap3A_369 = vector.shape_cast %swap3A_368 : vector<16xf32> to vector<16xf32>
    %swap3A_370 = vector.shape_cast %broadcast_in_dim3A_366 : vector<16xf32> to vector<16xf32>
    tpu.vector_store %arg6[%swap3A_367], %swap3A_370 {strides = array<i32>} : memref<1024xf32, #tpu.memory_space<vmem>>, vector<16xf32>,
    %broadcast_in_dim3A_371 = arith.constant 1.000000e+00 : f32
    %broadcast_in_dim3A_372 = vector.broadcast %broadcast_in_dim3A_371 : f32 to vector<16xf32>
    %swap3A_373 = arith.constant 992 : index
    %swap3A_374 = tpu.vector_load %arg6[%swap3A_373] {strides = array<i32>} : memref<1024xf32, #tpu.memory_space<vmem>>, vector<16xf32>,
    %swap3A_375 = vector.shape_cast %swap3A_374 : vector<16xf32> to vector<16xf32>
    %swap3A_376 = vector.shape_cast %broadcast_in_dim3A_372 : vector<16xf32> to vector<16xf32>
    tpu.vector_store %arg6[%swap3A_373], %swap3A_376 {strides = array<i32>} : memref<1024xf32, #tpu.memory_space<vmem>>, vector<16xf32>,
    %broadcast_in_dim3A_377 = arith.constant 1.000000e+00 : f32
    %broadcast_in_dim3A_378 = vector.broadcast %broadcast_in_dim3A_377 : f32 to vector<16xf32>
    %swap3A_379 = arith.constant 1008 : index
    %swap3A_380 = tpu.vector_load %arg6[%swap3A_379] {strides = array<i32>} : memref<1024xf32, #tpu.memory_space<vmem>>, vector<16xf32>,
    %swap3A_381 = vector.shape_cast %swap3A_380 : vector<16xf32> to vector<16xf32>
    %swap3A_382 = vector.shape_cast %broadcast_in_dim3A_378 : vector<16xf32> to vector<16xf32>
    tpu.vector_store %arg6[%swap3A_379], %swap3A_382 {strides = array<i32>} : memref<1024xf32, #tpu.memory_space<vmem>>, vector<16xf32>,
    %eq3A = arith.constant 0 : i32
    %eq3A_383 = arith.cmpi eq, %arg1, %eq3A : i32
    %convert_element_type3A = arith.extui %eq3A_383 : i1 to i32
    %cond3A = arith.constant 0 : i32
    %cond3A_384 = arith.cmpi ne, %convert_element_type3A, %cond3A : i32
    scf.if %cond3A_384 {
      %broadcast_in_dim3A_391 = arith.constant 0.000000e+00 : f32
      %broadcast_in_dim3A_392 = vector.broadcast %broadcast_in_dim3A_391 : f32 to vector<16xf32>
      %swap3A_393 = arith.constant 0 : index
      %swap3A_394 = tpu.vector_load %arg7[%swap3A_393] {strides = array<i32>} : memref<64xf32, #tpu.memory_space<vmem>>, vector<16xf32>,
      %swap3A_395 = vector.shape_cast %swap3A_394 : vector<16xf32> to vector<16xf32>
      %swap3A_396 = vector.shape_cast %broadcast_in_dim3A_392 : vector<16xf32> to vector<16xf32>
      tpu.vector_store %arg7[%swap3A_393], %swap3A_396 {strides = array<i32>} : memref<64xf32, #tpu.memory_space<vmem>>, vector<16xf32>,
      %broadcast_in_dim3A_397 = arith.constant 0.000000e+00 : f32
      %broadcast_in_dim3A_398 = vector.broadcast %broadcast_in_dim3A_397 : f32 to vector<16xf32>
      %swap3A_399 = arith.constant 16 : index
      %swap3A_400 = tpu.vector_load %arg7[%swap3A_399] {strides = array<i32>} : memref<64xf32, #tpu.memory_space<vmem>>, vector<16xf32>,
      %swap3A_401 = vector.shape_cast %swap3A_400 : vector<16xf32> to vector<16xf32>
      %swap3A_402 = vector.shape_cast %broadcast_in_dim3A_398 : vector<16xf32> to vector<16xf32>
      tpu.vector_store %arg7[%swap3A_399], %swap3A_402 {strides = array<i32>} : memref<64xf32, #tpu.memory_space<vmem>>, vector<16xf32>,
      %broadcast_in_dim3A_403 = arith.constant 0.000000e+00 : f32
      %broadcast_in_dim3A_404 = vector.broadcast %broadcast_in_dim3A_403 : f32 to vector<16xf32>
      %swap3A_405 = arith.constant 32 : index
      %swap3A_406 = tpu.vector_load %arg7[%swap3A_405] {strides = array<i32>} : memref<64xf32, #tpu.memory_space<vmem>>, vector<16xf32>,
      %swap3A_407 = vector.shape_cast %swap3A_406 : vector<16xf32> to vector<16xf32>
      %swap3A_408 = vector.shape_cast %broadcast_in_dim3A_404 : vector<16xf32> to vector<16xf32>
      tpu.vector_store %arg7[%swap3A_405], %swap3A_408 {strides = array<i32>} : memref<64xf32, #tpu.memory_space<vmem>>, vector<16xf32>,
      %broadcast_in_dim3A_409 = arith.constant 0.000000e+00 : f32
      %broadcast_in_dim3A_410 = vector.broadcast %broadcast_in_dim3A_409 : f32 to vector<16xf32>
      %swap3A_411 = arith.constant 48 : index
      %swap3A_412 = tpu.vector_load %arg7[%swap3A_411] {strides = array<i32>} : memref<64xf32, #tpu.memory_space<vmem>>, vector<16xf32>,
      %swap3A_413 = vector.shape_cast %swap3A_412 : vector<16xf32> to vector<16xf32>
      %swap3A_414 = vector.shape_cast %broadcast_in_dim3A_410 : vector<16xf32> to vector<16xf32>
      tpu.vector_store %arg7[%swap3A_411], %swap3A_414 {strides = array<i32>} : memref<64xf32, #tpu.memory_space<vmem>>, vector<16xf32>,
      "tpu.region"() ({
        %run_scoped3A = tpu.sem_alloc : memref<!tpu.dma_semaphore, #tpu.memory_space<semaphore_mem>>
        tpu.enqueue_dma source(%arg7 : memref<64xf32, #tpu.memory_space<vmem>>) target(%arg9 : memref<64xf32, #tpu.memory_space<vmem_shared>>) target_semaphore(%run_scoped3A : memref<!tpu.dma_semaphore, #tpu.memory_space<semaphore_mem>>)
        tpu.wait_dma2 semaphore(%run_scoped3A : memref<!tpu.dma_semaphore, #tpu.memory_space<semaphore_mem>>) src(%arg7 : memref<64xf32, #tpu.memory_space<vmem>>) dst(%arg9 : memref<64xf32, #tpu.memory_space<vmem_shared>>)
        tpu.yield
      }) : () -> ()
    } else {
    }
    %barrier3A = arith.constant 0 : index
    tpu.barrier barrier_id(%barrier3A)
    "tpu.region"() ({
      %run_scoped3A = tpu.sem_alloc : memref<!tpu.dma_semaphore, #tpu.memory_space<semaphore_mem>>
      %dma_start3A = arith.constant 0 : i32
      %dma_start3A_391 = tpu.memref_slice %arg9[%dma_start3A] : memref<64xf32, #tpu.memory_space<vmem_shared>> -> memref<64xf32, #tpu.memory_space<vmem_shared>>
      tpu.enqueue_indirect_dma source(%arg6 : memref<1024xf32, #tpu.memory_space<vmem>>) target(%dma_start3A_391 : memref<64xf32, #tpu.memory_space<vmem_shared>>) offsets(%arg5 : memref<1024xi32, #tpu.memory_space<vmem>>) semaphore(%run_scoped3A : memref<!tpu.dma_semaphore, #tpu.memory_space<semaphore_mem>>) {add = true}
      %dma_wait3A = arith.constant 0 : i32
      %dma_wait3A_392 = tpu.memref_slice %arg9[%dma_wait3A] : memref<64xf32, #tpu.memory_space<vmem_shared>> -> memref<64xf32, #tpu.memory_space<vmem_shared>>
      tpu.wait_indirect_dma semaphore(%run_scoped3A : memref<!tpu.dma_semaphore, #tpu.memory_space<semaphore_mem>>) src(%arg6 : memref<1024xf32, #tpu.memory_space<vmem>>) dst(%dma_wait3A_392 : memref<64xf32, #tpu.memory_space<vmem_shared>>)
      tpu.yield
    }) : () -> ()
    %barrier3A_385 = arith.constant 0 : index
    tpu.barrier barrier_id(%barrier3A_385)
    %eq3A_386 = arith.constant 0 : i32
    %eq3A_387 = arith.cmpi eq, %arg1, %eq3A_386 : i32
    %convert_element_type3A_388 = arith.extui %eq3A_387 : i1 to i32
    %cond3A_389 = arith.constant 0 : i32
    %cond3A_390 = arith.cmpi ne, %convert_element_type3A_388, %cond3A_389 : i32
    scf.if %cond3A_390 {
      "tpu.region"() ({
        %run_scoped3A = tpu.sem_alloc : memref<!tpu.dma_semaphore, #tpu.memory_space<semaphore_mem>>
        tpu.enqueue_dma source(%arg9 : memref<64xf32, #tpu.memory_space<vmem_shared>>) target(%arg8 : memref<64xf32, #tpu.memory_space<vmem>>) target_semaphore(%run_scoped3A : memref<!tpu.dma_semaphore, #tpu.memory_space<semaphore_mem>>)
        tpu.wait_dma2 semaphore(%run_scoped3A : memref<!tpu.dma_semaphore, #tpu.memory_space<semaphore_mem>>) src(%arg9 : memref<64xf32, #tpu.memory_space<vmem_shared>>) dst(%arg8 : memref<64xf32, #tpu.memory_space<vmem>>)
        tpu.yield
      }) : () -> ()
      "tpu.region"() ({
        %run_scoped3A = tpu.sem_alloc : memref<!tpu.dma_semaphore, #tpu.memory_space<semaphore_mem>>
        tpu.enqueue_dma source(%arg8 : memref<64xf32, #tpu.memory_space<vmem>>) target(%arg4 : memref<64xf32, #tpu.memory_space<hbm>>) target_semaphore(%run_scoped3A : memref<!tpu.dma_semaphore, #tpu.memory_space<semaphore_mem>>)
        tpu.wait_dma2 semaphore(%run_scoped3A : memref<!tpu.dma_semaphore, #tpu.memory_space<semaphore_mem>>) src(%arg8 : memref<64xf32, #tpu.memory_space<vmem>>) dst(%arg4 : memref<64xf32, #tpu.memory_space<hbm>>)
        tpu.yield
      }) : () -> ()
    } else {
    }
    return
  }
}

module attributes {stable_mosaic.version = 14 : i64} {
  func.func @_router_block(%arg0: i32, %arg1: memref<512x2048xf32, #tpu.memory_space<vmem>>, %arg2: memref<512x2048xf32, #tpu.memory_space<vmem>>, %arg3: memref<64x2048xf32, #tpu.memory_space<vmem>>, %arg4: memref<2x512xf32, #tpu.memory_space<vmem>>, %arg5: memref<2x512xf32, #tpu.memory_space<vmem>>, %arg6: memref<2x512xi32, #tpu.memory_space<vmem>>, %arg7: memref<2x512xi32, #tpu.memory_space<vmem>>, %arg8: memref<1x1xf32, #tpu.memory_space<vmem>>, %arg9: memref<64x1xf32, #tpu.memory_space<vmem>>, %arg10: memref<64x1xf32, #tpu.memory_space<vmem>>, %arg11: memref<1x1xf32, #tpu.memory_space<vmem>>) attributes {dimension_semantics = [#tpu.dimension_semantics<arbitrary>], iteration_bounds = array<i64: 8>, scalar_prefetch = 0 : i64, scratch_operands = 2 : i64, tpu.core_type = #tpu.core_type<tc>, window_params = [{transform_indices = @transform_0, window_bounds = array<i64: 512, 2048>}, {transform_indices = @transform_1, window_bounds = array<i64: 512, 2048>}, {pipeline_mode = #tpu.pipeline_mode<synchronous>, transform_indices = @transform_2, window_bounds = array<i64: 64, 2048>}, {transform_indices = @transform_3, window_bounds = array<i64: 2, 512>}, {transform_indices = @transform_4, window_bounds = array<i64: 2, 512>}, {transform_indices = @transform_5, window_bounds = array<i64: 2, 512>}, {transform_indices = @transform_6, window_bounds = array<i64: 2, 512>}, {pipeline_mode = #tpu.pipeline_mode<synchronous>, transform_indices = @transform_7, window_bounds = array<i64: 1, 1>}, {pipeline_mode = #tpu.pipeline_mode<synchronous>, transform_indices = @transform_8, window_bounds = array<i64: 64, 1>}]} {
    %get3A = arith.constant 0 : index
    %get3A_0 = arith.constant 0 : index
    %get3A_1 = vector.load %arg3[%get3A, %get3A_0] : memref<64x2048xf32, #tpu.memory_space<vmem>>, vector<64x2048xf32>
    %broadcast_in_dim3A = arith.constant 0.000000e+00 : f32
    %broadcast_in_dim3A_2 = vector.broadcast %broadcast_in_dim3A : f32 to vector<64x1xf32>
    %broadcast_in_dim3A_3 = arith.constant 0.000000e+00 : f32
    %broadcast_in_dim3A_4 = vector.broadcast %broadcast_in_dim3A_3 : f32 to vector<1x1xf32>
    %get3A_5 = arith.constant 0 : index
    %get3A_6 = arith.constant 0 : index
    %get3A_7 = vector.load %arg1[%get3A_5, %get3A_6] : memref<512x2048xf32, #tpu.memory_space<vmem>>, vector<512x2048xf32>
    %dot_general3A = arith.constant dense<0.000000e+00> : vector<64x512xf32>
    %dot_general3A_8 = tpu.matmul %get3A_1, %get3A_7, %dot_general3A {dimension_numbers = #tpu.dot_dimension_numbers<[1], [1], [0], [0], [0, 0, 1, 0], [], []>, transpose_lhs_hint = false} : vector<64x2048xf32>, vector<512x2048xf32>, vector<64x512xf32> -> vector<64x512xf32>
    %iota3A = tpu.iota {dimensions = array<i32: 0>} : vector<64x512xi32>
    %reduce_max3A = arith.constant dense<0xFF800000> : vector<512xf32>
    %reduce_max3A_9 = vector.multi_reduction <maximumf>, %dot_general3A_8, %reduce_max3A [0] : vector<64x512xf32> to vector<512xf32>
    %broadcast_in_dim3A_10 = vector.shape_cast %reduce_max3A_9 : vector<512xf32> to vector<1x512xf32>
    %eq3A = vector.broadcast %broadcast_in_dim3A_10 : vector<1x512xf32> to vector<64x512xf32>
    %eq3A_11 = arith.cmpf oeq, %dot_general3A_8, %eq3A : vector<64x512xf32>
    %jit3A = arith.constant 64 : i32
    %broadcast_in_dim3A_12 = vector.broadcast %jit3A : i32 to vector<64x512xi32>
    %select_n3A = arith.select %eq3A_11, %iota3A, %broadcast_in_dim3A_12 : vector<64x512xi1>, vector<64x512xi32>
    %reduce_min3A = arith.constant dense<2147483647> : vector<512xi32>
    %reduce_min3A_13 = vector.multi_reduction <minsi>, %select_n3A, %reduce_min3A [0] : vector<64x512xi32> to vector<512xi32>
    %broadcast_in_dim3A_14 = vector.shape_cast %reduce_min3A_13 : vector<512xi32> to vector<1x512xi32>
    %eq3A_15 = vector.broadcast %broadcast_in_dim3A_14 : vector<1x512xi32> to vector<64x512xi32>
    %eq3A_16 = arith.cmpi eq, %iota3A, %eq3A_15 : vector<64x512xi32>
    %jit3A_17 = arith.constant -3.000000e+38 : f32
    %broadcast_in_dim3A_18 = vector.broadcast %jit3A_17 : f32 to vector<64x512xf32>
    %select_n3A_19 = arith.select %eq3A_16, %broadcast_in_dim3A_18, %dot_general3A_8 : vector<64x512xi1>, vector<64x512xf32>
    %reduce_max3A_20 = arith.constant dense<0xFF800000> : vector<512xf32>
    %reduce_max3A_21 = vector.multi_reduction <maximumf>, %select_n3A_19, %reduce_max3A_20 [0] : vector<64x512xf32> to vector<512xf32>
    %broadcast_in_dim3A_22 = vector.shape_cast %reduce_max3A_21 : vector<512xf32> to vector<1x512xf32>
    %eq3A_23 = vector.broadcast %broadcast_in_dim3A_22 : vector<1x512xf32> to vector<64x512xf32>
    %eq3A_24 = arith.cmpf oeq, %select_n3A_19, %eq3A_23 : vector<64x512xf32>
    %jit3A_25 = arith.constant 64 : i32
    %broadcast_in_dim3A_26 = vector.broadcast %jit3A_25 : i32 to vector<64x512xi32>
    %select_n3A_27 = arith.select %eq3A_24, %iota3A, %broadcast_in_dim3A_26 : vector<64x512xi1>, vector<64x512xi32>
    %reduce_min3A_28 = arith.constant dense<2147483647> : vector<512xi32>
    %reduce_min3A_29 = vector.multi_reduction <minsi>, %select_n3A_27, %reduce_min3A_28 [0] : vector<64x512xi32> to vector<512xi32>
    %broadcast_in_dim3A_30 = vector.shape_cast %reduce_min3A_29 : vector<512xi32> to vector<1x512xi32>
    %sub3A = vector.broadcast %broadcast_in_dim3A_10 : vector<1x512xf32> to vector<64x512xf32>
    %sub3A_31 = arith.subf %dot_general3A_8, %sub3A : vector<64x512xf32>
    %exp3A = math.exp %sub3A_31 : vector<64x512xf32>
    %reduce_sum3A = arith.constant dense<0.000000e+00> : vector<512xf32>
    %reduce_sum3A_32 = vector.multi_reduction <add>, %exp3A, %reduce_sum3A [0] : vector<64x512xf32> to vector<512xf32>
    %broadcast_in_dim3A_33 = vector.shape_cast %reduce_sum3A_32 : vector<512xf32> to vector<1x512xf32>
    %div3A = arith.constant 1.000000e+00 : f32
    %div3A_34 = vector.broadcast %div3A : f32 to vector<1x512xf32>
    %div3A_35 = arith.divf %div3A_34, %broadcast_in_dim3A_33 : vector<1x512xf32>
    %log3A = math.log %broadcast_in_dim3A_33 : vector<1x512xf32>
    %add3A = arith.addf %broadcast_in_dim3A_10, %log3A : vector<1x512xf32>
    %sub3A_36 = arith.subf %broadcast_in_dim3A_22, %broadcast_in_dim3A_10 : vector<1x512xf32>
    %exp3A_37 = math.exp %sub3A_36 : vector<1x512xf32>
    %mul3A = arith.mulf %exp3A_37, %div3A_35 : vector<1x512xf32>
    %concatenate3A = tpu.concatenate %div3A_35, %mul3A in 0 : vector<1x512xf32>, vector<1x512xf32> -> vector<2x512xf32>
    %concatenate3A_38 = tpu.concatenate %broadcast_in_dim3A_14, %broadcast_in_dim3A_30 in 0 : vector<1x512xi32>, vector<1x512xi32> -> vector<2x512xi32>
    %mul3A_39 = vector.broadcast %div3A_35 : vector<1x512xf32> to vector<64x512xf32>
    %mul3A_40 = arith.mulf %exp3A, %mul3A_39 : vector<64x512xf32>
    %reduce_sum3A_41 = arith.constant dense<0.000000e+00> : vector<64xf32>
    %reduce_sum3A_42 = vector.multi_reduction <add>, %mul3A_40, %reduce_sum3A_41 [1] : vector<64x512xf32> to vector<64xf32>
    %broadcast_in_dim3A_43 = vector.shape_cast %reduce_sum3A_42 : vector<64xf32> to vector<64x1xf32>
    %mul3A_44 = arith.mulf %add3A, %add3A : vector<1x512xf32>
    %reduce_sum3A_45 = arith.constant dense<0.000000e+00> : vector<1xf32>
    %reduce_sum3A_46 = vector.multi_reduction <add>, %mul3A_44, %reduce_sum3A_45 [1] : vector<1x512xf32> to vector<1xf32>
    %broadcast_in_dim3A_47 = vector.shape_cast %reduce_sum3A_46 : vector<1xf32> to vector<1x1xf32>
    %swap3A = arith.constant 0 : index
    %swap3A_48 = arith.constant 0 : index
    %swap3A_49 = vector.load %arg4[%swap3A, %swap3A_48] : memref<2x512xf32, #tpu.memory_space<vmem>>, vector<2x512xf32>
    tpu.vector_store %arg4[%swap3A, %swap3A_48], %concatenate3A {strides = array<i32>} : memref<2x512xf32, #tpu.memory_space<vmem>>, vector<2x512xf32>,
    %swap3A_50 = arith.constant 0 : index
    %swap3A_51 = arith.constant 0 : index
    %swap3A_52 = vector.load %arg6[%swap3A_50, %swap3A_51] : memref<2x512xi32, #tpu.memory_space<vmem>>, vector<2x512xi32>
    tpu.vector_store %arg6[%swap3A_50, %swap3A_51], %concatenate3A_38 {strides = array<i32>} : memref<2x512xi32, #tpu.memory_space<vmem>>, vector<2x512xi32>,
    %add3A_53 = arith.addf %broadcast_in_dim3A_2, %broadcast_in_dim3A_43 : vector<64x1xf32>
    %add3A_54 = arith.addf %broadcast_in_dim3A_4, %broadcast_in_dim3A_47 : vector<1x1xf32>
    %get3A_55 = arith.constant 0 : index
    %get3A_56 = arith.constant 0 : index
    %get3A_57 = vector.load %arg2[%get3A_55, %get3A_56] : memref<512x2048xf32, #tpu.memory_space<vmem>>, vector<512x2048xf32>
    %dot_general3A_58 = arith.constant dense<0.000000e+00> : vector<64x512xf32>
    %dot_general3A_59 = tpu.matmul %get3A_1, %get3A_57, %dot_general3A_58 {dimension_numbers = #tpu.dot_dimension_numbers<[1], [1], [0], [0], [0, 0, 1, 0], [], []>, transpose_lhs_hint = false} : vector<64x2048xf32>, vector<512x2048xf32>, vector<64x512xf32> -> vector<64x512xf32>
    %iota3A_60 = tpu.iota {dimensions = array<i32: 0>} : vector<64x512xi32>
    %reduce_max3A_61 = arith.constant dense<0xFF800000> : vector<512xf32>
    %reduce_max3A_62 = vector.multi_reduction <maximumf>, %dot_general3A_59, %reduce_max3A_61 [0] : vector<64x512xf32> to vector<512xf32>
    %broadcast_in_dim3A_63 = vector.shape_cast %reduce_max3A_62 : vector<512xf32> to vector<1x512xf32>
    %eq3A_64 = vector.broadcast %broadcast_in_dim3A_63 : vector<1x512xf32> to vector<64x512xf32>
    %eq3A_65 = arith.cmpf oeq, %dot_general3A_59, %eq3A_64 : vector<64x512xf32>
    %jit3A_66 = arith.constant 64 : i32
    %broadcast_in_dim3A_67 = vector.broadcast %jit3A_66 : i32 to vector<64x512xi32>
    %select_n3A_68 = arith.select %eq3A_65, %iota3A_60, %broadcast_in_dim3A_67 : vector<64x512xi1>, vector<64x512xi32>
    %reduce_min3A_69 = arith.constant dense<2147483647> : vector<512xi32>
    %reduce_min3A_70 = vector.multi_reduction <minsi>, %select_n3A_68, %reduce_min3A_69 [0] : vector<64x512xi32> to vector<512xi32>
    %broadcast_in_dim3A_71 = vector.shape_cast %reduce_min3A_70 : vector<512xi32> to vector<1x512xi32>
    %eq3A_72 = vector.broadcast %broadcast_in_dim3A_71 : vector<1x512xi32> to vector<64x512xi32>
    %eq3A_73 = arith.cmpi eq, %iota3A_60, %eq3A_72 : vector<64x512xi32>
    %jit3A_74 = arith.constant -3.000000e+38 : f32
    %broadcast_in_dim3A_75 = vector.broadcast %jit3A_74 : f32 to vector<64x512xf32>
    %select_n3A_76 = arith.select %eq3A_73, %broadcast_in_dim3A_75, %dot_general3A_59 : vector<64x512xi1>, vector<64x512xf32>
    %reduce_max3A_77 = arith.constant dense<0xFF800000> : vector<512xf32>
    %reduce_max3A_78 = vector.multi_reduction <maximumf>, %select_n3A_76, %reduce_max3A_77 [0] : vector<64x512xf32> to vector<512xf32>
    %broadcast_in_dim3A_79 = vector.shape_cast %reduce_max3A_78 : vector<512xf32> to vector<1x512xf32>
    %eq3A_80 = vector.broadcast %broadcast_in_dim3A_79 : vector<1x512xf32> to vector<64x512xf32>
    %eq3A_81 = arith.cmpf oeq, %select_n3A_76, %eq3A_80 : vector<64x512xf32>
    %jit3A_82 = arith.constant 64 : i32
    %broadcast_in_dim3A_83 = vector.broadcast %jit3A_82 : i32 to vector<64x512xi32>
    %select_n3A_84 = arith.select %eq3A_81, %iota3A_60, %broadcast_in_dim3A_83 : vector<64x512xi1>, vector<64x512xi32>
    %reduce_min3A_85 = arith.constant dense<2147483647> : vector<512xi32>
    %reduce_min3A_86 = vector.multi_reduction <minsi>, %select_n3A_84, %reduce_min3A_85 [0] : vector<64x512xi32> to vector<512xi32>
    %broadcast_in_dim3A_87 = vector.shape_cast %reduce_min3A_86 : vector<512xi32> to vector<1x512xi32>
    %sub3A_88 = vector.broadcast %broadcast_in_dim3A_63 : vector<1x512xf32> to vector<64x512xf32>
    %sub3A_89 = arith.subf %dot_general3A_59, %sub3A_88 : vector<64x512xf32>
    %exp3A_90 = math.exp %sub3A_89 : vector<64x512xf32>
    %reduce_sum3A_91 = arith.constant dense<0.000000e+00> : vector<512xf32>
    %reduce_sum3A_92 = vector.multi_reduction <add>, %exp3A_90, %reduce_sum3A_91 [0] : vector<64x512xf32> to vector<512xf32>
    %broadcast_in_dim3A_93 = vector.shape_cast %reduce_sum3A_92 : vector<512xf32> to vector<1x512xf32>
    %div3A_94 = arith.constant 1.000000e+00 : f32
    %div3A_95 = vector.broadcast %div3A_94 : f32 to vector<1x512xf32>
    %div3A_96 = arith.divf %div3A_95, %broadcast_in_dim3A_93 : vector<1x512xf32>
    %log3A_97 = math.log %broadcast_in_dim3A_93 : vector<1x512xf32>
    %add3A_98 = arith.addf %broadcast_in_dim3A_63, %log3A_97 : vector<1x512xf32>
    %sub3A_99 = arith.subf %broadcast_in_dim3A_79, %broadcast_in_dim3A_63 : vector<1x512xf32>
    %exp3A_100 = math.exp %sub3A_99 : vector<1x512xf32>
    %mul3A_101 = arith.mulf %exp3A_100, %div3A_96 : vector<1x512xf32>
    %concatenate3A_102 = tpu.concatenate %div3A_96, %mul3A_101 in 0 : vector<1x512xf32>, vector<1x512xf32> -> vector<2x512xf32>
    %concatenate3A_103 = tpu.concatenate %broadcast_in_dim3A_71, %broadcast_in_dim3A_87 in 0 : vector<1x512xi32>, vector<1x512xi32> -> vector<2x512xi32>
    %mul3A_104 = vector.broadcast %div3A_96 : vector<1x512xf32> to vector<64x512xf32>
    %mul3A_105 = arith.mulf %exp3A_90, %mul3A_104 : vector<64x512xf32>
    %reduce_sum3A_106 = arith.constant dense<0.000000e+00> : vector<64xf32>
    %reduce_sum3A_107 = vector.multi_reduction <add>, %mul3A_105, %reduce_sum3A_106 [1] : vector<64x512xf32> to vector<64xf32>
    %broadcast_in_dim3A_108 = vector.shape_cast %reduce_sum3A_107 : vector<64xf32> to vector<64x1xf32>
    %mul3A_109 = arith.mulf %add3A_98, %add3A_98 : vector<1x512xf32>
    %reduce_sum3A_110 = arith.constant dense<0.000000e+00> : vector<1xf32>
    %reduce_sum3A_111 = vector.multi_reduction <add>, %mul3A_109, %reduce_sum3A_110 [1] : vector<1x512xf32> to vector<1xf32>
    %broadcast_in_dim3A_112 = vector.shape_cast %reduce_sum3A_111 : vector<1xf32> to vector<1x1xf32>
    %swap3A_113 = arith.constant 0 : index
    %swap3A_114 = arith.constant 0 : index
    %swap3A_115 = vector.load %arg5[%swap3A_113, %swap3A_114] : memref<2x512xf32, #tpu.memory_space<vmem>>, vector<2x512xf32>
    tpu.vector_store %arg5[%swap3A_113, %swap3A_114], %concatenate3A_102 {strides = array<i32>} : memref<2x512xf32, #tpu.memory_space<vmem>>, vector<2x512xf32>,
    %swap3A_116 = arith.constant 0 : index
    %swap3A_117 = arith.constant 0 : index
    %swap3A_118 = vector.load %arg7[%swap3A_116, %swap3A_117] : memref<2x512xi32, #tpu.memory_space<vmem>>, vector<2x512xi32>
    tpu.vector_store %arg7[%swap3A_116, %swap3A_117], %concatenate3A_103 {strides = array<i32>} : memref<2x512xi32, #tpu.memory_space<vmem>>, vector<2x512xi32>,
    %add3A_119 = arith.addf %add3A_53, %broadcast_in_dim3A_108 : vector<64x1xf32>
    %add3A_120 = arith.addf %add3A_54, %broadcast_in_dim3A_112 : vector<1x1xf32>
    %eq3A_121 = arith.constant 0 : i32
    %eq3A_122 = arith.cmpi eq, %arg0, %eq3A_121 : i32
    %convert_element_type3A = arith.extui %eq3A_122 : i1 to i32
    %cond3A = arith.constant 0 : i32
    %cond3A_123 = arith.cmpi ne, %convert_element_type3A, %cond3A : i32
    scf.if %cond3A_123 {
      %swap3A_133 = arith.constant 0 : index
      %swap3A_134 = arith.constant 0 : index
      %swap3A_135 = vector.load %arg10[%swap3A_133, %swap3A_134] : memref<64x1xf32, #tpu.memory_space<vmem>>, vector<64x1xf32>
      tpu.vector_store %arg10[%swap3A_133, %swap3A_134], %add3A_119 {strides = array<i32>} : memref<64x1xf32, #tpu.memory_space<vmem>>, vector<64x1xf32>,
      %swap3A_136 = arith.constant 0 : index
      %swap3A_137 = arith.constant 0 : index
      %swap3A_138 = vector.load %arg11[%swap3A_136, %swap3A_137] : memref<1x1xf32, #tpu.memory_space<vmem>>, vector<1x1xf32>
      tpu.vector_store %arg11[%swap3A_136, %swap3A_137], %add3A_120 {strides = array<i32>} : memref<1x1xf32, #tpu.memory_space<vmem>>, vector<1x1xf32>,
    } else {
    }
    %gt3A = arith.constant 0 : i32
    %gt3A_124 = arith.cmpi sgt, %arg0, %gt3A : i32
    %convert_element_type3A_125 = arith.extui %gt3A_124 : i1 to i32
    %cond3A_126 = arith.constant 0 : i32
    %cond3A_127 = arith.cmpi ne, %convert_element_type3A_125, %cond3A_126 : i32
    scf.if %cond3A_127 {
      %get3A_133 = arith.constant 0 : index
      %get3A_134 = arith.constant 0 : index
      %get3A_135 = vector.load %arg10[%get3A_133, %get3A_134] : memref<64x1xf32, #tpu.memory_space<vmem>>, vector<64x1xf32>
      %add3A_136 = arith.addf %get3A_135, %add3A_119 : vector<64x1xf32>
      %swap3A_137 = arith.constant 0 : index
      %swap3A_138 = arith.constant 0 : index
      %swap3A_139 = vector.load %arg10[%swap3A_137, %swap3A_138] : memref<64x1xf32, #tpu.memory_space<vmem>>, vector<64x1xf32>
      tpu.vector_store %arg10[%swap3A_137, %swap3A_138], %add3A_136 {strides = array<i32>} : memref<64x1xf32, #tpu.memory_space<vmem>>, vector<64x1xf32>,
      %get3A_140 = arith.constant 0 : index
      %get3A_141 = arith.constant 0 : index
      %get3A_142 = vector.load %arg11[%get3A_140, %get3A_141] : memref<1x1xf32, #tpu.memory_space<vmem>>, vector<1x1xf32>
      %add3A_143 = arith.addf %get3A_142, %add3A_120 : vector<1x1xf32>
      %swap3A_144 = arith.constant 0 : index
      %swap3A_145 = arith.constant 0 : index
      %swap3A_146 = vector.load %arg11[%swap3A_144, %swap3A_145] : memref<1x1xf32, #tpu.memory_space<vmem>>, vector<1x1xf32>
      tpu.vector_store %arg11[%swap3A_144, %swap3A_145], %add3A_143 {strides = array<i32>} : memref<1x1xf32, #tpu.memory_space<vmem>>, vector<1x1xf32>,
    } else {
    }
    %eq3A_128 = arith.constant 7 : i32
    %eq3A_129 = arith.cmpi eq, %arg0, %eq3A_128 : i32
    %convert_element_type3A_130 = arith.extui %eq3A_129 : i1 to i32
    %cond3A_131 = arith.constant 0 : i32
    %cond3A_132 = arith.cmpi ne, %convert_element_type3A_130, %cond3A_131 : i32
    scf.if %cond3A_132 {
      %get3A_133 = arith.constant 0 : index
      %get3A_134 = arith.constant 0 : index
      %get3A_135 = vector.load %arg11[%get3A_133, %get3A_134] : memref<1x1xf32, #tpu.memory_space<vmem>>, vector<1x1xf32>
      %mul3A_136 = arith.constant 1.22070318E-7 : f32
      %mul3A_137 = vector.broadcast %mul3A_136 : f32 to vector<1x1xf32>
      %mul3A_138 = arith.mulf %get3A_135, %mul3A_137 : vector<1x1xf32>
      %swap3A_139 = arith.constant 0 : index
      %swap3A_140 = arith.constant 0 : index
      %swap3A_141 = vector.load %arg8[%swap3A_139, %swap3A_140] : memref<1x1xf32, #tpu.memory_space<vmem>>, vector<1x1xf32>
      tpu.vector_store %arg8[%swap3A_139, %swap3A_140], %mul3A_138 {strides = array<i32>} : memref<1x1xf32, #tpu.memory_space<vmem>>, vector<1x1xf32>,
      %get3A_142 = arith.constant 0 : index
      %get3A_143 = arith.constant 0 : index
      %get3A_144 = vector.load %arg10[%get3A_142, %get3A_143] : memref<64x1xf32, #tpu.memory_space<vmem>>, vector<64x1xf32>
      %swap3A_145 = arith.constant 0 : index
      %swap3A_146 = arith.constant 0 : index
      %swap3A_147 = vector.load %arg9[%swap3A_145, %swap3A_146] : memref<64x1xf32, #tpu.memory_space<vmem>>, vector<64x1xf32>
      tpu.vector_store %arg9[%swap3A_145, %swap3A_146], %get3A_144 {strides = array<i32>} : memref<64x1xf32, #tpu.memory_space<vmem>>, vector<64x1xf32>,
    } else {
    }
    return
  }
  func.func @transform_0(%arg0: i32) -> (i32, i32) {
    %add3A = arith.constant 0 : i32
    %add3A_0 = arith.addi %arg0, %add3A : i32
    %c0_i32 = arith.constant 0 : i32
    %c0_i32_1 = arith.constant 0 : i32
    return %add3A_0, %c0_i32 : i32, i32
  }
  func.func @transform_1(%arg0: i32) -> (i32, i32) {
    %add3A = arith.constant 8 : i32
    %add3A_0 = arith.addi %arg0, %add3A : i32
    %c0_i32 = arith.constant 0 : i32
    %c0_i32_1 = arith.constant 0 : i32
    return %add3A_0, %c0_i32 : i32, i32
  }
  func.func @transform_2(%arg0: i32) -> (i32, i32) {
    %c0_i32 = arith.constant 0 : i32
    %c0_i32_0 = arith.constant 0 : i32
    %c0_i32_1 = arith.constant 0 : i32
    return %c0_i32, %c0_i32_0 : i32, i32
  }
  func.func @transform_3(%arg0: i32) -> (i32, i32) {
    %c0_i32 = arith.constant 0 : i32
    %c0_i32_0 = arith.constant 0 : i32
    return %c0_i32, %arg0 : i32, i32
  }
  func.func @transform_4(%arg0: i32) -> (i32, i32) {
    %c0_i32 = arith.constant 0 : i32
    %c0_i32_0 = arith.constant 0 : i32
    return %c0_i32, %arg0 : i32, i32
  }
  func.func @transform_5(%arg0: i32) -> (i32, i32) {
    %c0_i32 = arith.constant 0 : i32
    %c0_i32_0 = arith.constant 0 : i32
    return %c0_i32, %arg0 : i32, i32
  }
  func.func @transform_6(%arg0: i32) -> (i32, i32) {
    %c0_i32 = arith.constant 0 : i32
    %c0_i32_0 = arith.constant 0 : i32
    return %c0_i32, %arg0 : i32, i32
  }
  func.func @transform_7(%arg0: i32) -> (i32, i32) {
    %c0_i32 = arith.constant 0 : i32
    %c0_i32_0 = arith.constant 0 : i32
    %c0_i32_1 = arith.constant 0 : i32
    return %c0_i32, %c0_i32_0 : i32, i32
  }
  func.func @transform_8(%arg0: i32) -> (i32, i32) {
    %c0_i32 = arith.constant 0 : i32
    %c0_i32_0 = arith.constant 0 : i32
    %c0_i32_1 = arith.constant 0 : i32
    return %c0_i32, %c0_i32_0 : i32, i32
  }
}

module attributes {stable_mosaic.version = 14 : i64} {
  func.func @_dot_body(%arg0: memref<1x64xf32, #tpu.memory_space<vmem>>, %arg1: memref<1x64xf32, #tpu.memory_space<vmem>>, %arg2: memref<1x1xf32, #tpu.memory_space<vmem>>) attributes {dimension_semantics = [], scalar_prefetch = 0 : i64, scratch_operands = 0 : i64, tpu.core_type = #tpu.core_type<tc>} {
    %get3A = arith.constant 0 : index
    %get3A_0 = arith.constant 0 : index
    %get3A_1 = vector.load %arg0[%get3A, %get3A_0] : memref<1x64xf32, #tpu.memory_space<vmem>>, vector<1x64xf32>
    %get3A_2 = arith.constant 0 : index
    %get3A_3 = arith.constant 0 : index
    %get3A_4 = vector.load %arg1[%get3A_2, %get3A_3] : memref<1x64xf32, #tpu.memory_space<vmem>>, vector<1x64xf32>
    %mul3A = arith.mulf %get3A_1, %get3A_4 : vector<1x64xf32>
    %reduce_sum3A = vector.shape_cast %mul3A : vector<1x64xf32> to vector<1x1x64xf32>
    %reduce_sum3A_5 = arith.constant dense<0.000000e+00> : vector<1xf32>
    %reduce_sum3A_6 = vector.multi_reduction <add>, %reduce_sum3A, %reduce_sum3A_5 [1, 2] : vector<1x1x64xf32> to vector<1xf32>
    %reduce_sum3A_7 = vector.shape_cast %reduce_sum3A_6 : vector<1xf32> to vector<1x1x1xf32>
    %reduce_sum3A_8 = vector.extract %reduce_sum3A_7[0, 0, 0] : f32 from vector<1x1x1xf32>
    %broadcast_in_dim3A = vector.broadcast %reduce_sum3A_8 : f32 to vector<1x1xf32>
    %mul3A_9 = arith.constant 4.76837148E-9 : f32
    %mul3A_10 = vector.broadcast %mul3A_9 : f32 to vector<1x1xf32>
    %mul3A_11 = arith.mulf %broadcast_in_dim3A, %mul3A_10 : vector<1x1xf32>
    %swap3A = arith.constant 0 : index
    %swap3A_12 = arith.constant 0 : index
    %swap3A_13 = vector.load %arg2[%swap3A, %swap3A_12] : memref<1x1xf32, #tpu.memory_space<vmem>>, vector<1x1xf32>
    tpu.vector_store %arg2[%swap3A, %swap3A_12], %mul3A_11 {strides = array<i32>} : memref<1x1xf32, #tpu.memory_space<vmem>>, vector<1x1xf32>,
    return
  }
}

</mosaic_0001>

<sc_bundles>
// kernel: kernel.5.cloned.1.call-start
scs
__scs_entry_jumppad:
0x0: {  	(pc) =	sbr.rel $0x88, $3  }
0x1: {  	(tag) =	ssettag $0x0;
	lr =	simm.s32 $0x1  }
0x2: {  	[smem:$0x3F9F] =	sst lr;
	_ =	strace $0xD0000000  }
0x3: {  	_ = 	snop  }
0x4: {  	_ = 	snop  }
0x5: {  	_ = 	snop  }
0x6: {  	_ = 	snop  }
0x7: {  	_ = 	snop  }
__scs_overlays_trampoline_lowered:
0x8: {  	[smem:$0x3FAE] =	sst s0  }
0x9: {  	[smem:$0x3FAF] =	sst s1  }
0xa: {  	[smem:$0x3FB0] =	sst s2  }
0xb: {  	[smem:$0x3FB1] =	sst s3  }
0xc: {  	[smem:$0x3FB2] =	sst s4  }
0xd: {  	[smem:$0x3FB3] =	sst s5  }
0xe: {  	[smem:$0x3FB4] =	sst s6  }
0xf: {  	[smem:$0x3FB5] =	sst s7  }
0x10: {  	[smem:$0x3FB6] =	sst s8  }
0x11: {  	[smem:$0x3FB7] =	sst s9;
	s0 =	simm.s32 @!p0 $0x0  }
0x12: {  	s1 =	sld [smem:$0x3F9D];
	s0 =	simm.s32 @p0 $0x1  }
0x13: {  	[smem:$0x3FB8] =	sst s0;
	s0 =	simm.s32 @!p1 $0x0  }
0x14: {  	s2 =	sld [smem:$0x3F9C];
	s0 =	simm.s32 @p1 $0x1  }
0x15: {  	[smem:$0x3FB9] =	sst s0;
	s0 =	simm.s32 @!p2 $0x0  }
0x16: {  	s3 =	sld [smem:$0x3FDB];
	s0 =	simm.s32 @p2 $0x1  }
0x17: {  	s4 =	simm.s32 $0x1BF5;
	[smem:$0x3FBB] =	sst s0  }
0x18: {  	s0 =	sld [smem:$0x3F9E];
	_ =	swait.ge [sflag:s4], $0x0  }
0x19: {  	s7 =	sld [smem:$0x3F9F]  }
0x1a: {  	s8 =	sadd.s32 $0xFFFFE003, lr  }
0x1b: {  	s9 =	sadd.s32 $0xFFFFFEF7, lr;
	s5 =	simm.s32 $0xFFFFFFFF;
	p2 =	slt.u32 s8, $0xFFFFF086  }
0x1c: {  	p1 =	slt.u32 s9, $0xF7A;
	s5 =	simm.s32 @!p2 $0x0  }
0x1d: {  	s5 =	simm.s32 @p1 $0x1;
	p0 =	seq.s32 s7, s2  }
0x1e: {  	s7 =	smul.u32 @!p0 $0xF7A, s2;
	p2 =	seq.s32 @!p0 s5, $0x0  }
0x1f: {  	s9 =	smul.u32 $0xF7A, s1;
	s8 =	simm.s32 @!p0 $0x1BF5;
	p2 =	por !p2, p0  }
0x20: {  	[sflag:s8] =	ssyncset.s32 @!p0 $0xFFFFF086;
	s6 =	sadd.s32 @!p0 s3, s7;
	s7 =	simm.s32 @!p0 $0x108  }
0x21: {  	s3 =	sadd.s32 s3, s9;
	s6 =	sadd.s32 @!p0 $0x88, s6;
	s7 =	simm.s32 @p2 $0x1082  }
0x22: {  	[simem:s7], [sflag:s8] =	dma.local @!p0 [hbm:s6], $0xF7A  }
0x23: {  	s9 =	sor.u32 $0xD0000000, s2;
	s6 =	simm.s32 $0x108;
	_ =	swait.ge @!p0 [sflag:s8], $0x0  }
0x24: {  	s3 =	sadd.s32 $0x88, s3;
	s6 =	simm.s32 @!p1 $0x1082;
	[sflag:s4] =	ssyncset.s32 $0xFFFFF086  }
0x25: {  	[simem:s6], [sflag:s4] =	dma.local [hbm:s3], $0xF7A  }
0x26: {  	[smem:$0x3F9F] =	sst s1;
	(tag) =	ssettag s2;
	_ =	strace s9  }
0x27: {  	s1 =	sld [smem:$0x3FAF]  }
0x28: {  	s2 =	sld [smem:$0x3FB0]  }
0x29: {  	s4 =	sld [smem:$0x3FB2]  }
0x2a: {  	p0 =	seq.s32 s5, $0x0;
	s5 =	sld [smem:$0x3FB3]  }
0x2b: {  	s6 =	sld [smem:$0x3FB4]  }
0x2c: {  	s7 =	sld [smem:$0x3FB5]  }
0x2d: {  	s3 =	simm.s32 $0x108;
	s8 =	sld [smem:$0x3FB6]  }
0x2e: {  	s3 =	simm.s32 @!p0 $0x1082;
	s9 =	sld [smem:$0x3FB7]  }
0x2f: {  	lr =	sadd.s32 s0, s3;
	s0 =	sld [smem:$0x3FAE]  }
0x30: {  	s3 =	sld [smem:$0x3FB1]  }
0x31: {  	[smem:$0x3FBA] =	sst s10  }
0x32: {  	s10 =	sld [smem:$0x3FB8];
	_ =	sdelay $0x3  }
0x33: {  	p0 =	seq.s32 s10, $0x1;
	s10 =	sld [smem:$0x3FBA];
	_ =	sdelay $0x3  }
0x34: {  	[smem:$0x3FBA] =	sst s10  }
0x35: {  	s10 =	sld [smem:$0x3FB9];
	_ =	sdelay $0x3  }
0x36: {  	p1 =	seq.s32 s10, $0x1;
	s10 =	sld [smem:$0x3FBA];
	_ =	sdelay $0x3  }
0x37: {  	[smem:$0x3FBA] =	sst s10  }
0x38: {  	s10 =	sld [smem:$0x3FBB]  }
0x39: {  	_ = 	snop;
	(pc) =	sbr.ind lr, $3  }
0x3a: {  	_ = 	snop  }
0x3b: {  	_ = 	snop  }
0x3c: {  	p2 =	seq.s32 s10, $0x1;
	s10 =	sld [smem:$0x3FBA]  }
0x3d: {  	_ =	shalt  }
0x3e: {  	_ =	shalt  }
0x3f: {  	_ =	shalt  }
0x40: {  	_ =	shalt  }
0x41: {  	_ =	shalt  }
0x42: {  	_ =	shalt  }
0x43: {  	_ =	shalt  }
0x44: {  	_ =	shalt  }
0x45: {  	_ =	shalt  }
0x46: {  	_ =	shalt  }
0x47: {  	_ =	shalt  }
0x48: {  	_ =	shalt  }
0x49: {  	_ =	shalt  }
0x4a: {  	_ =	shalt  }
0x4b: {  	_ =	shalt  }
0x4c: {  	_ =	shalt  }
0x4d: {  	_ =	shalt  }
0x4e: {  	_ =	shalt  }
0x4f: {  	_ =	shalt  }
0x50: {  	_ =	shalt  }
0x51: {  	_ =	shalt  }
0x52: {  	_ =	shalt  }
0x53: {  	_ =	shalt  }
0x54: {  	_ =	shalt  }
0x55: {  	_ =	shalt  }
0x56: {  	_ =	shalt  }
0x57: {  	_ =	shalt  }
0x58: {  	_ =	shalt  }
0x59: {  	_ =	shalt  }
0x5a: {  	_ =	shalt  }
0x5b: {  	_ =	shalt  }
0x5c: {  	_ =	shalt  }
0x5d: {  	_ =	shalt  }
0x5e: {  	_ =	shalt  }
0x5f: {  	_ =	shalt  }
0x60: {  	_ =	shalt  }
0x61: {  	_ =	shalt  }
0x62: {  	_ =	shalt  }
0x63: {  	_ =	shalt  }
0x64: {  	_ =	shalt  }
0x65: {  	_ =	shalt  }
0x66: {  	_ =	shalt  }
0x67: {  	_ =	shalt  }
0x68: {  	_ =	shalt  }
0x69: {  	_ =	shalt  }
0x6a: {  	_ =	shalt  }
0x6b: {  	_ =	shalt  }
0x6c: {  	_ =	shalt  }
0x6d: {  	_ =	shalt  }
0x6e: {  	_ =	shalt  }
0x6f: {  	_ =	shalt  }
0x70: {  	_ =	shalt  }
0x71: {  	_ =	shalt  }
0x72: {  	_ =	shalt  }
0x73: {  	_ =	shalt  }
0x74: {  	_ =	shalt  }
0x75: {  	_ =	shalt  }
0x76: {  	_ =	shalt  }
0x77: {  	_ =	shalt  }
0x78: {  	_ =	shalt  }
0x79: {  	_ =	shalt  }
0x7a: {  	_ =	shalt  }
0x7b: {  	_ =	shalt  }
0x7c: {  	_ =	shalt  }
0x7d: {  	_ =	shalt  }
0x7e: {  	_ =	shalt  }
0x7f: {  	_ =	shalt  }
0x80: {  	_ =	shalt  }
0x81: {  	_ =	shalt  }
0x82: {  	_ =	shalt  }
0x83: {  	_ =	shalt  }
0x84: {  	_ =	shalt  }
0x85: {  	_ =	shalt  }
0x86: {  	_ =	shalt  }
0x87: {  	_ =	shalt  }
.Lfunc_end0:
.L_simem_size_0:
called_computation_lowered:
.L_overlay_start_0:
0x88: {  	s0 =	sld [smem:$0x3FD9]  }
0x89: {  	s1 =	sld [smem:$0x3FFE];
	_ =	sdelay $0x3  }
0x8a: {  	s0 =	sadd.s32 s1, s0  }
0x8b: {  	[smem:$0x3FC6] =	sst s0  }
0x8c: {  	_ = 	snop  }
0x8d: {  	s0 =	sld [smem:$0x3FD0];
	_ =	sdelay $0x2  }
0x8e: {  	s13 =	simm.s32 $0xA;
	s2 =	simm.s32 $0x10  }
0x8f: {  	[smem:s2], [sflag:s13] =	dma.local [hbm:s0], $0x1  }
0x90: {  	_ =	swait.eq [sflag:s13], $0x1  }
0x91: {  	[sflag:s13] =	ssyncset.done $0x0  }
0x92: {  	[sflag:s13] =	ssyncadd.s32 $0xFFFFFFFF  }
0x93: {  	s14 =	sld [smem:$0x13];
	(tm) =	ssettm $0x1  }
0x94: {  	s15 =	sld [smem:$0x3FFB];
	_ =	sdelay $0x3  }
0x95: {  	_ =	strace s15  }
0x96: {  	s1 =	sld [smem:$0x3FFC];
	_ =	sdelay $0x3  }
0x97: {  	_ =	strace s1  }
0x98: {  	s1 =	sld [smem:$0x3FFD];
	_ =	sdelay $0x3  }
0x99: {  	_ =	strace s1  }
0x9a: {  	_ =	strace $0x8FFFFFFF  }
0x9b: {  	s16 =	sld [smem:$0x3FDB];
	_ =	sdelay $0x1  }
0x9c: {  	s17 =	simm.s32 $_scs_section_size  }
0x9d: {  	s3 =	simm.s32 $_size__tile_overlayer_lowered;
	s4 =	simm.s32 $_tile_overlayer_lowered  }
0x9e: {  	s20 =	simm.s32 $0x1BFF;
	s19 =	sshll.u32 s4, $0x1;
	s1 =	sadd.s32 s17, s16  }
0x9f: {  	s5 =	simm.s32 $0x0;
	s18 =	sshll.u32 s3, $0x1;
	s3 =	sadd.s32 s19, s1  }
0xa0: {  	[timem:s5], [sflag:s20] =	dma.local [hbm:s3], s18  }
0xa1: {  	_ =	swait.ge [sflag:s20], s18  }
0xa2: {  	s2 =	ssub.s32 $0x0, s18;
	[sflag:s20] =	ssyncset.done $0x0  }
0xa3: {  	[sflag:s20] =	ssyncadd.s32 s2;
	_ =	sdelay $0x1  }
0xa4: {  	s21 =	simm.s32 $0x1B8B  }
0xa5: {  	_ =	swait.ge [sflag:s21], $0x1  }
0xa6: {  	[sflag:s21] =	ssyncset.done $0x0  }
0xa7: {  	s23 =	simm.s32 $0x1B8E;
	s22 =	sld [smem:$0x3FFE];
	[sflag:s21] =	ssyncadd.s32 $0xFFFFFFFF  }
0xa8: {  	s24 =	simm.s32 $execute0_lowered;
	[smem:$0x3FD2] =	sst s23  }
0xa9: {  	s3 =	sshll.u32 s24, $0x1;
	_ =	strace $0x80000046;
	[dreg:$0x1] =	wrdreg $0xFFFFFFFF  }
0xaa: {  	s25 =	simm.s32 $_size_execute0_lowered;
	s1 =	sadd.s32 s1, s3;
	[dreg:$0x0] =	wrdreg $0x0  }
0xab: {  	s3 =	sshll.u32 s25, $0x1;
	[dreg:$0x2] =	wrdreg s1  }
0xac: {  	[dreg:$0x3] =	wrdreg s3  }
0xad: {  	[dreg:$0x4] =	wrdreg $0xC0  }
0xae: {  	_ =	task [dreg:s5], $0x5FFFF  }
0xaf: {  	[dreg:$0x1] =	wrdreg $0xFFFFFFFF  }
0xb0: {  	[dreg:$0x0] =	wrdreg $0x60  }
0xb1: {  	[dreg:$0x2] =	wrdreg s22  }
0xb2: {  	[dreg:$0x3] =	wrdreg s14  }
0xb3: {  	[dreg:$0x4] =	wrdreg $0x9000  }
0xb4: {  	[dreg:$0x5] =	wrdreg $0x9  }
0xb5: {  	_ =	task.clear_ibuf [dreg:s5], $0x6FFFF;
	_ =	strace $0x90000046  }
0xb6: {  	s26 =	simm.s32 $0x9;
	_ =	strace $0x80000048  }
0xb7: {  	_ =	swait.ge [sflag:s26], $0x1  }
0xb8: {  	[sflag:s26] =	ssyncadd.s32 $0xFFFFFFFF  }
0xb9: {  	_ =	strace $0x90000048  }
0xba: {  	_ =	sfence  }
0xbb: {  	s28 =	sld [smem:$0x0];
	_ =	sdelay $0x1  }
0xbc: {  	s29 =	srdreg.scid  }
0xbd: {  	s30 =	sshll.u32 s29, $0xD;
	s31 =	sshrl.u32 s29, $0x2  }
0xbe: {  	s2 =	sand.u32 $0x4000, s30;
	s1 =	sand.u32 $0x1, s29;
	s0 =	sadd.s32 s31, s28  }
0xbf: {  	s1 =	sor.u32 s2, s1;
	s0 =	sshll.u32 s0, $0x11  }
0xc0: {  	s0 =	sor.u32 s0, s1  }
0xc1: {  	s0 =	sadd.s32 $0x8F2B, s0  }
0xc2: {  	[sflag:s0] =	ssyncadd.remote.s32 $0x1  }
0xc3: {  	_ =	sfence.sel $0xFFFF  }
0xc4: {  	[dreg:$0x0] =	wrdreg $0xFFFFFFFF;
	(pc) =	sbr.abs _section_cstart, $3  }
0xc5: {  	[dreg:$0x1] =	wrdreg $0xFFFFFFFF  }
0xc6: {  	_ =	task.clear_ibuf [dreg:s5], $0x2FFFF;
	_ =	strace $0x9FFFFFFF  }
0xc7: {  	(tm) =	ssettm $0x7FFFFFFF  }
tec
execute0_lowered:
.L_overlay_start_1:
0x0: {  	(tag) =	ssettag $0x1  }
0x1: {  	s4 =	rddreg [dreg:$0x0]  }
0x2: {  	s1 =	rddreg [dreg:$0x1]  }
0x3: {  	s2 =	rddreg [dreg:$0x2];
	s3 =	stileid.u32  }
0x4: {  	s0 =	rddreg [dreg:$0x3];
	s5 =	simm.s32 $0x0;
	s6 =	sshll.u32 s3, $0x6  }
0x5: {  	[smem:$0x7FF] =	sst s5;
	s4 =	sadd.s32 s6, s4  }
0x6: {  	s31 =	simm.s32 $0x1;
	_ =	strace $0x80000047;
	s6 =	sadd.s32 $0xA00, s4  }
0x7: {  	[tilespmem:s5], [sflag:$0x1] =	stream.linear.gather [hbm4b:s6+s5], $0x200, $0x38;
	[tilespmem:$0x908] =	vst v63  }
0x8: {  	_ =	swait.ge [sflag:s31], $0x200  }
0x9: {  	[sflag:s31] =	ssyncset.done $0x0  }
0xa: {  	s7 =	simm.s32 $0x200;
	s4 =	sadd.s32 $0x600, s4;
	[sflag:s31] =	ssyncadd.s32 $0xFFFFFE00  }
0xb: {  	[tilespmem:s7], [sflag:$0x1] =	stream.linear.gather [hbm4b:s4+s5], $0x200, $0x38;
	[tilespmem:$0x908] =	vst v63  }
0xc: {  	_ =	swait.ge [sflag:s31], $0x200  }
0xd: {  	[sflag:s31] =	ssyncset.done $0x0  }
0xe: {  	v0 =	vimm.f32 $1.000000000e+00;
	[sflag:s31] =	ssyncadd.s32 $0xFFFFFE00  }
0xf: {  	[tilespmem:$0x400] =	vst v0  }
0x10: {  	[tilespmem:$0x410] =	vst v0  }
0x11: {  	[tilespmem:$0x420] =	vst v0  }
0x12: {  	[tilespmem:$0x430] =	vst v0  }
0x13: {  	[tilespmem:$0x440] =	vst v0  }
0x14: {  	[tilespmem:$0x450] =	vst v0  }
0x15: {  	[tilespmem:$0x460] =	vst v0  }
0x16: {  	[tilespmem:$0x470] =	vst v0  }
0x17: {  	[tilespmem:$0x480] =	vst v0  }
0x18: {  	[tilespmem:$0x490] =	vst v0  }
0x19: {  	[tilespmem:$0x4A0] =	vst v0  }
0x1a: {  	[tilespmem:$0x4B0] =	vst v0  }
0x1b: {  	[tilespmem:$0x4C0] =	vst v0  }
0x1c: {  	[tilespmem:$0x4D0] =	vst v0  }
0x1d: {  	[tilespmem:$0x4E0] =	vst v0  }
0x1e: {  	[tilespmem:$0x4F0] =	vst v0  }
0x1f: {  	[tilespmem:$0x500] =	vst v0  }
0x20: {  	[tilespmem:$0x510] =	vst v0  }
0x21: {  	[tilespmem:$0x520] =	vst v0  }
0x22: {  	[tilespmem:$0x530] =	vst v0  }
0x23: {  	[tilespmem:$0x540] =	vst v0  }
0x24: {  	[tilespmem:$0x550] =	vst v0  }
0x25: {  	[tilespmem:$0x560] =	vst v0  }
0x26: {  	[tilespmem:$0x570] =	vst v0  }
0x27: {  	[tilespmem:$0x580] =	vst v0  }
0x28: {  	[tilespmem:$0x590] =	vst v0  }
0x29: {  	[tilespmem:$0x5A0] =	vst v0  }
0x2a: {  	[tilespmem:$0x5B0] =	vst v0  }
0x2b: {  	[tilespmem:$0x5C0] =	vst v0  }
0x2c: {  	[tilespmem:$0x5D0] =	vst v0  }
0x2d: {  	[tilespmem:$0x5E0] =	vst v0  }
0x2e: {  	[tilespmem:$0x5F0] =	vst v0  }
0x2f: {  	[tilespmem:$0x600] =	vst v0  }
0x30: {  	[tilespmem:$0x610] =	vst v0  }
0x31: {  	[tilespmem:$0x620] =	vst v0  }
0x32: {  	[tilespmem:$0x630] =	vst v0  }
0x33: {  	[tilespmem:$0x640] =	vst v0  }
0x34: {  	[tilespmem:$0x650] =	vst v0  }
0x35: {  	[tilespmem:$0x660] =	vst v0  }
0x36: {  	[tilespmem:$0x670] =	vst v0  }
0x37: {  	[tilespmem:$0x680] =	vst v0  }
0x38: {  	[tilespmem:$0x690] =	vst v0  }
0x39: {  	[tilespmem:$0x6A0] =	vst v0  }
0x3a: {  	[tilespmem:$0x6B0] =	vst v0  }
0x3b: {  	[tilespmem:$0x6C0] =	vst v0  }
0x3c: {  	[tilespmem:$0x6D0] =	vst v0  }
0x3d: {  	[tilespmem:$0x6E0] =	vst v0  }
0x3e: {  	[tilespmem:$0x6F0] =	vst v0  }
0x3f: {  	[tilespmem:$0x700] =	vst v0  }
0x40: {  	[tilespmem:$0x710] =	vst v0  }
0x41: {  	[tilespmem:$0x720] =	vst v0  }
0x42: {  	[tilespmem:$0x730] =	vst v0  }
0x43: {  	[tilespmem:$0x740] =	vst v0  }
0x44: {  	[tilespmem:$0x750] =	vst v0  }
0x45: {  	[tilespmem:$0x760] =	vst v0  }
0x46: {  	[tilespmem:$0x770] =	vst v0  }
0x47: {  	[tilespmem:$0x780] =	vst v0  }
0x48: {  	[tilespmem:$0x790] =	vst v0  }
0x49: {  	[tilespmem:$0x7A0] =	vst v0  }
0x4a: {  	[tilespmem:$0x7B0] =	vst v0  }
0x4b: {  	[tilespmem:$0x7C0] =	vst v0  }
0x4c: {  	[tilespmem:$0x7D0] =	vst v0  }
0x4d: {  	[tilespmem:$0x7E0] =	vst v0  }
0x4e: {  	p0 =	sne.s32 s3, $0x0;
	[tilespmem:$0x7F0] =	vst v0  }
0x4f: {  	s3 =	simm.s32 @p0 $0x0;
	s4 =	simm.s32 @p0 $0x400;
	[bflag:$0x0] =	sbarrier.arrive @p0 $0xFFFF  }
0x50: {  	[spmem:s2] =	stream.indirect.scatter.add.f32 @p0 [tilespmem:s4], [sflag:$0x1], $0x1, s3, s4, $0xb8;
	[tilespmem:$0x908] =	vst v63  }
0x51: {  	s3 =	simm.s32 @p0 $0x1  }
0x52: {  	_ =	swait.ge @p0 [sflag:s3], $0x400  }
0x53: {  	[sflag:s3] =	ssyncset.done @p0 $0x0  }
0x54: {  	[sflag:s3] =	ssyncadd.s32 @p0 $0xFFFFFC00  }
0x55: {  	v0 =	vimm.f32 @!p0 $0.0e+00;
	[bflag:$0x0] =	sbarrier.arrive @p0 $0xFFFF  }
0x56: {  	[tilespmem:$0x800] =	vst @!p0 v0  }
0x57: {  	[tilespmem:$0x810] =	vst @!p0 v0  }
0x58: {  	[tilespmem:$0x820] =	vst @!p0 v0  }
0x59: {  	s3 =	simm.s32 @!p0 $0x800;
	[tilespmem:$0x830] =	vst @!p0 v0  }
0x5a: {  	[spmem:s2] =	stream.linear.scatter @!p0 [tilespmem:s3], [sflag:$0x1], $0x80, $0x38;
	[tilespmem:$0x908] =	vst v63  }
0x5b: {  	s3 =	simm.s32 @!p0 $0x1  }
0x5c: {  	_ =	swait.ge @!p0 [sflag:s3], $0x80  }
0x5d: {  	[sflag:s3] =	ssyncset.done @!p0 $0x0  }
0x5e: {  	[sflag:s3] =	ssyncadd.s32 @!p0 $0xFFFFFF80  }
0x5f: {  	s5 =	simm.s32 @!p0 $0x400;
	s4 =	simm.s32 @!p0 $0x0;
	[bflag:$0x0] =	sbarrier.arrive @!p0 $0xFFFF  }
0x60: {  	[spmem:s2] =	stream.indirect.scatter.add.f32 @!p0 [tilespmem:s5], [sflag:$0x1], $0x1, s4, s5, $0xb8;
	[tilespmem:$0x908] =	vst v63  }
0x61: {  	_ =	swait.ge @!p0 [sflag:s3], $0x400  }
0x62: {  	[sflag:s3] =	ssyncset.done @!p0 $0x0  }
0x63: {  	[sflag:s3] =	ssyncadd.s32 @!p0 $0xFFFFFC00  }
0x64: {  	s5 =	simm.s32 @!p0 $0x880;
	[bflag:$0x0] =	sbarrier.arrive @!p0 $0xFFFF  }
0x65: {  	[tilespmem:s5], [sflag:$0x1] =	stream.linear.gather @!p0 [spmem:s2], $0x80, $0x38;
	[tilespmem:$0x908] =	vst v63  }
0x66: {  	_ =	swait.ge @!p0 [sflag:s3], $0x80  }
0x67: {  	[sflag:s3] =	ssyncset.done @!p0 $0x0  }
0x68: {  	[sflag:s3] =	ssyncadd.s32 @!p0 $0xFFFFFF80  }
0x69: {  	[hbm4b:s1+s4] =	stream.linear.scatter @!p0 [tilespmem:s5], [sflag:$0x1], $0x80, $0x38;
	[tilespmem:$0x908] =	vst v63  }
0x6a: {  	_ =	swait.ge @!p0 [sflag:s3], $0x80  }
0x6b: {  	[sflag:s3] =	ssyncset.done @!p0 $0x0  }
0x6c: {  	[sflag:s3] =	ssyncadd.s32 @!p0 $0xFFFFFF80  }
0x6d: {  	_ =	sfence.sel $0x180000  }
0x6e: {  	[bflag:$0x0] =	sbarrier.arrive $0xFFFF  }
0x6f: {  	_ =	strace $0x90000047  }
0x70: {  	s0 =	sadd.s32 @!p0 $0x100000, s0;
	[bflag:$0x2] =	sbarrier.arrive $0xFFFF  }
0x71: {  	[sflag:s0] =	ssyncadd.tile.s32 @!p0 $0x1;
	_ =	shalt  }
.Lfunc_end2:
_tile_overlayer_lowered:
.L_overlay_start_2:
0x72: {  	(tag) =	ssettag $0x2  }
0x73: {  	s0 =	rddreg [dreg:$0x0];
	s2 =	stileid.u32  }
0x74: {  	s1 =	rddreg [dreg:$0x1];
	p0 =	sne.s32 s2, $0x0  }
0x75: {  	s3 =	rddreg [dreg:$0x2];
	[bflag:$0x3] =	sbarrier.arrive $0xFFFF;
	s2 =	simm.s32 @!p0 $0x1C01  }
0x76: {  	[timem:s3], [sflag:s2] =	dma.local @!p0 [hbm:s0], s1  }
0x77: {  	s0 =	simm.s32 @!p0 $0x1  }
0x78: {  	_ =	swait.ge @!p0 [sflag:s0], s1  }
0x79: {  	s1 =	ssub.s32 @!p0 $0x0, s1;
	[sflag:s0] =	ssyncset.done @!p0 $0x0  }
0x7a: {  	[sflag:s0] =	ssyncadd.s32 @!p0 s1  }
0x7b: {  	[bflag:$0x3] =	sbarrier.arrive $0xFFFF  }
0x7c: {  	_ =	shalt  }

</sc_bundles>
